<compile_context>
chip_gen: v7x
topology: tpu7x:2x2x1
jax: 0.10.2.dev20260603
libtpu: 0.0.44.dev20260713+nightly
codegen_flags: <defaults>
</compile_context>

<pallas_src>
import functools

import jax
import jax.numpy as jnp
from jax import lax
from jax.experimental import pallas as pl
from jax.experimental.pallas import tpu as pltpu
from jax.experimental.pallas import tpu_sc as plsc

S = 1024
K = 32
EPS = 1e-5
BIG = 1 << 30



def _fps_body(xyz_ref, xyzs_ref, idx_ref, cxyz_ref):
    B = xyz_ref.shape[0]
    Xs = [[xyz_ref[b, c] for c in range(3)] for b in range(B)]
    ids = (lax.broadcasted_iota(jnp.int32, (8, 2048), 0) * 2048
           + lax.broadcasted_iota(jnp.int32, (8, 2048), 1))
    ids_s = (lax.broadcasted_iota(jnp.int32, (8, 128), 0) * 128
             + lax.broadcasted_iota(jnp.int32, (8, 128), 1))

    def body(i, st):
        dists, fars, accs = st
        sel = ids_s == i
        ndists, nfars, naccs = [], [], []
        for b in range(B):
            X, Y, Z = Xs[b]
            dist, far, acc = dists[b], fars[b], accs[b]
            cx = xyzs_ref[3 * b + 0, far]
            cy = xyzs_ref[3 * b + 1, far]
            cz = xyzs_ref[3 * b + 2, far]
            acc = (jnp.where(sel, far, acc[0]),
                   jnp.where(sel, cx, acc[1]),
                   jnp.where(sel, cy, acc[2]),
                   jnp.where(sel, cz, acc[3]))
            dx = X - cx
            dy = Y - cy
            dz = Z - cz
            d = dx * dx + dy * dy + dz * dz
            dist = jnp.minimum(dist, d)
            mx = jnp.max(dist)
            far = jnp.min(jnp.where(dist == mx, ids, BIG))
            ndists.append(dist)
            nfars.append(far)
            naccs.append(acc)
        return (tuple(ndists), tuple(nfars), tuple(naccs))

    init = (tuple(jnp.full((8, 2048), 1e10, jnp.float32) for _ in range(B)),
            tuple(jnp.int32(0) for _ in range(B)),
            tuple((jnp.zeros((8, 128), jnp.int32),
                   jnp.zeros((8, 128), jnp.float32),
                   jnp.zeros((8, 128), jnp.float32),
                   jnp.zeros((8, 128), jnp.float32)) for _ in range(B)))
    _, _, accs = lax.fori_loop(0, S, body, init)
    for b in range(B):
        idx_ref[b] = accs[b][0]
        cxyz_ref[b, 0] = accs[b][1]
        cxyz_ref[b, 1] = accs[b][2]
        cxyz_ref[b, 2] = accs[b][3]


def _fps(xyz_r, xyz_s):
    B = xyz_r.shape[0]
    return pl.pallas_call(
        _fps_body,
        in_specs=[pl.BlockSpec((B, 3, 8, 2048), lambda: (0, 0, 0, 0)),
                  pl.BlockSpec(memory_space=pltpu.SMEM)],
        out_specs=[pl.BlockSpec((B, 8, 128), lambda: (0, 0, 0)),
                   pl.BlockSpec((B, 3, 8, 128), lambda: (0, 0, 0, 0))],
        out_shape=[jax.ShapeDtypeStruct((B, 8, 128), jnp.int32),
                   jax.ShapeDtypeStruct((B, 3, 8, 128), jnp.float32)],
    )(xyz_r, xyz_s)



def _knn_body(c_ref, x_ref, idx_ref, d_ref):
    N = x_ref.shape[2]
    ct = c_ref[0]
    cx = ct[:, 0:1]
    cy = ct[:, 1:2]
    cz = ct[:, 2:3]
    X = x_ref[0, 0:1, :]
    Y = x_ref[0, 1:2, :]
    Z = x_ref[0, 2:3, :]
    cs2 = (cx * cx + cy * cy) + cz * cz
    xs2 = (X * X + Y * Y) + Z * Z
    cb = ct.astype(jnp.bfloat16)
    xb = x_ref[0].astype(jnp.bfloat16)
    mt = jnp.dot(cb, xb, preferred_element_type=jnp.float32)
    d_ref[...] = (cs2 + xs2) - 2.0 * mt
    colid = lax.broadcasted_iota(jnp.int32, (128, N), 1)
    col32 = lax.broadcasted_iota(jnp.int32, (128, K), 1)

    def body(i, acc):
        D = d_ref[...]
        m = jnp.min(D, axis=1, keepdims=True)
        fi = jnp.min(jnp.where(D == m, colid, BIG), axis=1, keepdims=True)
        acc = jnp.where(col32 == i, fi, acc)
        d_ref[...] = jnp.where(colid == fi, jnp.float32(jnp.inf), D)
        return acc

    acc = lax.fori_loop(0, K, body, jnp.zeros((128, K), jnp.int32))
    idx_ref[0] = acc


def _knn(cxyz, xyz_t):
    B = cxyz.shape[0]
    N = xyz_t.shape[2]
    return pl.pallas_call(
        _knn_body,
        grid=(B, S // 128),
        in_specs=[pl.BlockSpec((1, 128, 3), lambda b, t: (b, t, 0)),
                  pl.BlockSpec((1, 3, N), lambda b, t: (b, 0, 0))],
        out_specs=pl.BlockSpec((1, 128, K), lambda b, t: (b, t, 0)),
        out_shape=jax.ShapeDtypeStruct((B, S, K), jnp.int32),
        scratch_shapes=[pltpu.VMEM((128, N), jnp.float32)],
    )(cxyz, xyz_t)



def _sc_gather(table, idx, chunk):
    nrow, D = table.shape
    Bn = idx.shape[0]
    info = plsc.get_sparse_core_info()
    nw = info.num_cores * info.num_subcores
    b_per_w = Bn // nw
    nchunk = b_per_w // chunk
    mesh = plsc.VectorSubcoreMesh(core_axis_name="c", subcore_axis_name="s")

    @functools.partial(
        pl.kernel, mesh=mesh,
        compiler_params=pltpu.CompilerParams(use_tc_tiling_on_sc=False),
        out_type=jax.ShapeDtypeStruct((Bn, D), jnp.float32),
        scratch_types=[
            pltpu.VMEM((chunk,), jnp.int32),
            pltpu.VMEM((chunk, D), jnp.float32),
            pltpu.SemaphoreType.DMA,
        ],
    )
    def k(table_hbm, idx_hbm, out_hbm, idx_v, rows_v, sem):
        wid = lax.axis_index("s") * info.num_cores + lax.axis_index("c")
        base = wid * b_per_w
        for ci in range(nchunk):
            off = base + ci * chunk
            pltpu.sync_copy(idx_hbm.at[pl.ds(off, chunk)], idx_v)
            pltpu.async_copy(table_hbm.at[idx_v], rows_v, sem).wait()
            pltpu.sync_copy(rows_v, out_hbm.at[pl.ds(off, chunk)])

    return k(table, idx)



def _z0_body(gf_ref, fc_ref, w0t_ref, b0_ref, z0_ref, acc_ref):
    Fc = fc_ref[...]
    G = gf_ref[...].reshape(128, K, 64)
    Gn = G - Fc[:, None, :]
    A = jnp.concatenate(
        [jnp.broadcast_to(Fc[:, None, :], (128, K, 64)), Gn], axis=2)
    z0 = jnp.dot(A.reshape(128 * K, 128).astype(jnp.bfloat16),
                 w0t_ref[...].astype(jnp.bfloat16),
                 preferred_element_type=jnp.float32) + b0_ref[0:1, :]
    z0_ref[...] = z0
    r1 = jnp.sum(z0, axis=0)[None, :]
    r2 = jnp.sum(z0 * z0, axis=0)[None, :]
    part = jnp.concatenate([r1, r2], axis=0)

    @pl.when(pl.program_id(0) == 0)
    def _():
        acc_ref[...] = jnp.zeros_like(acc_ref)

    acc_ref[...] += part


def _z0_pass(gf, fc, w0t, b0):
    n = gf.shape[0]
    return pl.pallas_call(
        _z0_body,
        grid=(n // 4096,),
        in_specs=[pl.BlockSpec((4096, 64), lambda t: (t, 0)),
                  pl.BlockSpec((128, 64), lambda t: (t, 0)),
                  pl.BlockSpec((128, 64), lambda t: (0, 0)),
                  pl.BlockSpec((1, 64), lambda t: (0, 0))],
        out_specs=[pl.BlockSpec((4096, 64), lambda t: (t, 0)),
                   pl.BlockSpec((2, 64), lambda t: (0, 0))],
        out_shape=[jax.ShapeDtypeStruct((n, 64), jnp.float32),
                   jax.ShapeDtypeStruct((2, 64), jnp.float32)],
    )(gf, fc, w0t, b0)



def _z1_body(z0_ref, st_ref, g0_ref, bb0_ref, w1t_ref, b1_ref,
             z1_ref, acc_ref):
    n0 = jnp.float32(2 * S * K)
    st = st_ref[...]
    mean0 = st[0:1, :] / n0
    var0 = st[1:2, :] / n0 - mean0 * mean0
    a0 = g0_ref[0:1, :] * lax.rsqrt(var0 + EPS)
    c0 = bb0_ref[0:1, :] - mean0 * a0
    h1 = jnp.maximum(a0 * z0_ref[...] + c0, 0.0)
    z1 = jnp.dot(h1.astype(jnp.bfloat16),
                 w1t_ref[...].astype(jnp.bfloat16),
                 preferred_element_type=jnp.float32) + b1_ref[0:1, :]
    z1_ref[...] = z1
    r1 = jnp.sum(z1, axis=0)[None, :]
    r2 = jnp.sum(z1 * z1, axis=0)[None, :]
    part = jnp.concatenate([r1, r2], axis=0)

    @pl.when(pl.program_id(0) == 0)
    def _():
        acc_ref[...] = jnp.zeros_like(acc_ref)

    acc_ref[...] += part


def _z1_pass(z0, st, g0, bb0, w1t, b1):
    n = z0.shape[0]
    return pl.pallas_call(
        _z1_body,
        grid=(n // 4096,),
        in_specs=[pl.BlockSpec((4096, 64), lambda t: (t, 0)),
                  pl.BlockSpec((2, 64), lambda t: (0, 0)),
                  pl.BlockSpec((1, 64), lambda t: (0, 0)),
                  pl.BlockSpec((1, 64), lambda t: (0, 0)),
                  pl.BlockSpec((64, 64), lambda t: (0, 0)),
                  pl.BlockSpec((1, 64), lambda t: (0, 0))],
        out_specs=[pl.BlockSpec((4096, 64), lambda t: (t, 0)),
                   pl.BlockSpec((2, 64), lambda t: (0, 0))],
        out_shape=[jax.ShapeDtypeStruct((n, 64), jnp.float32),
                   jax.ShapeDtypeStruct((2, 64), jnp.float32)],
    )(z0, st, g0, bb0, w1t, b1)



def _pool_body(z1_ref, st_ref, g1_ref, bb1_ref, mp_ref, ap_ref):
    n1 = jnp.float32(2 * S * K)
    st = st_ref[...]
    m1 = st[0:1, :] / n1
    v1 = st[1:2, :] / n1 - m1 * m1
    a1 = g1_ref[0:1, :] * lax.rsqrt(v1 + EPS)
    c1 = bb1_ref[0:1, :] - m1 * a1
    h2 = jnp.maximum(a1 * z1_ref[...] + c1, 0.0).reshape(128, K, 64)
    mp_ref[...] = jnp.max(h2, axis=1)
    ap_ref[...] = jnp.sum(h2, axis=1) * jnp.float32(1.0 / K)


def _pool_pass(z1, st, g1, bb1):
    n = z1.shape[0]
    return pl.pallas_call(
        _pool_body,
        grid=(n // 4096,),
        in_specs=[pl.BlockSpec((4096, 64), lambda t: (t, 0)),
                  pl.BlockSpec((2, 64), lambda t: (0, 0)),
                  pl.BlockSpec((1, 64), lambda t: (0, 0)),
                  pl.BlockSpec((1, 64), lambda t: (0, 0))],
        out_specs=[pl.BlockSpec((128, 64), lambda t: (t, 0)),
                   pl.BlockSpec((128, 64), lambda t: (t, 0))],
        out_shape=[jax.ShapeDtypeStruct((n // K, 64), jnp.float32),
                   jax.ShapeDtypeStruct((n // K, 64), jnp.float32)],
    )(z1, st, g1, bb1)



def _res_body(mp_ref, wrt_ref, rb_ref, g_ref, bb_ref, o_ref):
    mp = mp_ref[...]
    y = jnp.dot(mp.astype(jnp.bfloat16), wrt_ref[...].astype(jnp.bfloat16),
                preferred_element_type=jnp.float32) + rb_ref[0:1, :]
    m = jnp.mean(y, axis=0, keepdims=True)
    d = y - m
    v = jnp.mean(d * d, axis=0, keepdims=True)
    ybn = d * lax.rsqrt(v + EPS) * g_ref[0:1, :] + bb_ref[0:1, :]
    o_ref[...] = jnp.maximum(ybn + mp, 0.0)


def _res_pass(mp, wrt, rb, g, bb):
    n = mp.shape[0]
    return pl.pallas_call(
        _res_body,
        in_specs=[pl.BlockSpec((n, 64), lambda: (0, 0)),
                  pl.BlockSpec((64, 64), lambda: (0, 0)),
                  pl.BlockSpec((1, 64), lambda: (0, 0)),
                  pl.BlockSpec((1, 64), lambda: (0, 0)),
                  pl.BlockSpec((1, 64), lambda: (0, 0))],
        out_specs=pl.BlockSpec((n, 64), lambda: (0, 0)),
        out_shape=jax.ShapeDtypeStruct((n, 64), jnp.float32),
    )(mp, wrt, rb, g, bb)



@jax.jit
def kernel(xyz, feature, conv0_w, conv0_b, bn0_g, bn0_b, conv1_w, conv1_b,
           bn1_g, bn1_b, res_w, res_b, res_bn_g, res_bn_b):
    B, N, C = feature.shape

    xyz_r = jnp.transpose(xyz, (0, 2, 1)).reshape(B, 3, 8, N // 8)
    xyz_s = jnp.transpose(xyz, (0, 2, 1)).reshape(B * 3, N)
    fps_i, cxyz_r = _fps(xyz_r, xyz_s)
    centroid_xyz = jnp.transpose(cxyz_r.reshape(B, 3, S), (0, 2, 1))

    xyz_t = jnp.transpose(xyz, (0, 2, 1))
    knn_idx = _knn(centroid_xyz, xyz_t)

    boff = (jnp.arange(B, dtype=jnp.int32) * N)[:, None, None]
    knn_flat = (knn_idx + boff).reshape(B * S * K)
    fps_flat = (fps_i.reshape(B, S) + boff[:, :, 0]).reshape(B * S)

    gf = _sc_gather(feature.reshape(B * N, C), knn_flat, 1024)
    fc = _sc_gather(feature.reshape(B * N, C), fps_flat, 64)

    w0t = jnp.transpose(conv0_w, (1, 0))
    z0, st0 = _z0_pass(gf, fc, w0t, conv0_b[None, :])
    w1t = jnp.transpose(conv1_w, (1, 0))
    z1, st1 = _z1_pass(z0, st0, bn0_g[None, :], bn0_b[None, :],
                       w1t, conv1_b[None, :])
    mp, ap = _pool_pass(z1, st1, bn1_g[None, :], bn1_b[None, :])

    wrt = jnp.transpose(res_w, (1, 0))
    mp_out = _res_pass(mp, wrt, res_b[None, :], res_bn_g[None, :],
                       res_bn_b[None, :])

    return (centroid_xyz,
            mp_out.reshape(B, S, C),
            ap.reshape(B, S, C))

# --- scband reference (transcript-rebuilt; emitter-appended) ---
"""Pipeline reference for scband-patch-abstraction-15857019257405 (READ-ONLY COPY).

The authoritative reference and input builder live on the scoring server;
editing this copy changes nothing except your own understanding.
"""

import jax, jax.numpy as jnp
import numpy as np

NUM_PATCHES = 1024
PATCH_SIZE = 32
EPS = 1e-5


def index_points(points, idx):
    return jax.vmap(lambda p, i: p[i])(points, idx)


def square_distance(src, dst):
    return jnp.sum(src ** 2, -1)[:, :, None] + jnp.sum(dst ** 2, -1)[:, None, :] - 2.0 * jnp.einsum('bsc,bnc->bsn', src, dst)


def farthest_point_sample(xyz, npoint):
    B, N, _ = xyz.shape

    def body(i, state):
        centroids, distance, farthest = state
        centroids = centroids.at[:, i].set(farthest)
        centroid = jax.vmap(lambda p, f: p[f])(xyz, farthest)[:, None, :]
        dist = jnp.sum((xyz - centroid) ** 2, -1)
        distance = jnp.minimum(distance, dist)
        farthest = jnp.argmax(distance, -1).astype(jnp.int32)
        return (centroids, distance, farthest)

    centroids = jnp.zeros((B, npoint), dtype=jnp.int32)
    distance = jnp.full((B, N), 1e10, dtype=xyz.dtype)
    farthest = jnp.zeros((B,), dtype=jnp.int32)
    centroids, _, _ = jax.lax.fori_loop(0, npoint, body, (centroids, distance, farthest))
    return centroids


def bn2d(x, g, b):
    m = jnp.mean(x, axis=(0, 2, 3), keepdims=True)
    v = jnp.var(x, axis=(0, 2, 3), keepdims=True)
    return (x - m) / jnp.sqrt(v + EPS) * g[None, :, None, None] + b[None, :, None, None]


def bn1d(x, g, b):
    m = jnp.mean(x, axis=(0, 2), keepdims=True)
    v = jnp.var(x, axis=(0, 2), keepdims=True)
    return (x - m) / jnp.sqrt(v + EPS) * g[None, :, None] + b[None, :, None]


def setup_inputs(seed: int = 0):
    key = jax.random.key(seed)
    ks = jax.random.split(key, 8)
    B, N, C = 2, 16384, 64
    xyz = jax.random.uniform(ks[0], (B, N, 3), dtype=jnp.float32)
    feature = jax.random.normal(ks[1], (B, N, C), dtype=jnp.float32)
    conv0_w = jax.random.normal(ks[2], (64, 128), dtype=jnp.float32) * 0.05
    conv0_b = jnp.zeros((64,), dtype=jnp.float32)
    bn0_g = jnp.ones((64,), dtype=jnp.float32)
    bn0_b = jnp.zeros((64,), dtype=jnp.float32)
    conv1_w = jax.random.normal(ks[3], (64, 64), dtype=jnp.float32) * 0.05
    conv1_b = jnp.zeros((64,), dtype=jnp.float32)
    bn1_g = jnp.ones((64,), dtype=jnp.float32)
    bn1_b = jnp.zeros((64,), dtype=jnp.float32)
    res_w = jax.random.normal(ks[4], (64, 64), dtype=jnp.float32) * 0.05
    res_b = jnp.zeros((64,), dtype=jnp.float32)
    res_bn_g = jnp.ones((64,), dtype=jnp.float32)
    res_bn_b = jnp.zeros((64,), dtype=jnp.float32)
    return {'xyz': xyz, 'feature': feature, 'conv0_w': conv0_w, 'conv0_b': conv0_b, 'bn0_g': bn0_g, 'bn0_b': bn0_b, 'conv1_w': conv1_w, 'conv1_b': conv1_b, 'bn1_g': bn1_g, 'bn1_b': bn1_b, 'res_w': res_w, 'res_b': res_b, 'res_bn_g': res_bn_g, 'res_bn_b': res_bn_b}


def reference(xyz, feature, conv0_w, conv0_b, bn0_g, bn0_b, conv1_w, conv1_b, bn1_g, bn1_b, res_w, res_b, res_bn_g, res_bn_b):
    B, N, C = feature.shape
    fps_idx = farthest_point_sample(xyz, NUM_PATCHES)
    centroid_xyz = index_points(xyz, fps_idx)
    dists = square_distance(centroid_xyz, xyz)
    knn_idx = jnp.argsort(dists, axis=-1)[:, :, :PATCH_SIZE]
    centroid_feature = index_points(feature, fps_idx)
    grouped_feature = index_points(feature, knn_idx)
    grouped_norm = grouped_feature - centroid_feature[:, :, None, :]
    groups = jnp.concatenate([jnp.broadcast_to(centroid_feature[:, :, None, :], grouped_norm.shape), grouped_norm], axis=-1)
    groups = jnp.transpose(groups, (0, 3, 2, 1))
    groups = jax.nn.relu(bn2d(jnp.einsum('oc,bcks->boks', conv0_w, groups) + conv0_b[None, :, None, None], bn0_g, bn0_b))
    groups = jax.nn.relu(bn2d(jnp.einsum('oc,bcks->boks', conv1_w, groups) + conv1_b[None, :, None, None], bn1_g, bn1_b))
    max_patches = jnp.max(groups, axis=2)
    y = jnp.einsum('oc,bcs->bos', res_w, max_patches) + res_b[None, :, None]
    y = bn1d(y, res_bn_g, res_bn_b)
    max_patches_out = jnp.transpose(jax.nn.relu(y + max_patches), (0, 2, 1))
    avg_patches = jnp.transpose(jnp.mean(groups, axis=2), (0, 2, 1))
    return (centroid_xyz, max_patches_out, avg_patches)

if __name__ == "__main__":
    import jax
    _d = setup_inputs()
    print(jax.jit(kernel)(*tuple(_d.values())))

</pallas_src>

<mosaic_0001>
#map = affine_map<(d0, d1) -> (0, 0)>
#map1 = affine_map<(d0, d1) -> (0)>
module attributes {stable_mosaic.version = 14 : i64} {
  func.func @k(%arg0: i32, %arg1: i32, %arg2: memref<32768x64xf32, #tpu.memory_space<hbm>>, %arg3: memref<65536xi32, #tpu.memory_space<hbm>>, %arg4: memref<65536x64xf32, #tpu.memory_space<hbm>>, %arg5: memref<1024xi32, #tpu.memory_space<vmem>>, %arg6: memref<1024x64xf32, #tpu.memory_space<vmem>>, %arg7: memref<!tpu.dma_semaphore, #tpu.memory_space<semaphore_mem>>) attributes {dimension_semantics = [#tpu.dimension_semantics<core_parallel>, #tpu.dimension_semantics<subcore_parallel>], iteration_bounds = array<i64: 2, 16>, scalar_prefetch = 0 : i64, scratch_operands = 3 : i64, tpu.core_type = #tpu.core_type<sc_vector_subcore>, window_params = [{transform_indices = #map}, {transform_indices = #map1}, {transform_indices = #map}]} {
    %mul3A = arith.constant 2 : i32
    %mul3A_0 = arith.muli %arg1, %mul3A : i32
    %add3A = arith.addi %mul3A_0, %arg0 : i32
    %mul3A_1 = arith.constant 2048 : i32
    %mul3A_2 = arith.muli %add3A, %mul3A_1 : i32
    %add3A_3 = arith.constant 0 : i32
    %add3A_4 = arith.addi %mul3A_2, %add3A_3 : i32
    "tpu.region"() ({
      %run_scoped3A = tpu.sem_alloc : memref<!tpu.dma_semaphore, #tpu.memory_space<semaphore_mem>>
      %dma_start3A_17 = tpu.memref_slice %arg3[%add3A_4] : memref<65536xi32, #tpu.memory_space<hbm>> -> memref<1024xi32, #tpu.memory_space<hbm>>
      %dma_start3A_18 = tpu.memref_slice %arg3[%add3A_4] : memref<65536xi32, #tpu.memory_space<hbm>> -> memref<1024xi32, #tpu.memory_space<hbm>>
      tpu.enqueue_dma source(%dma_start3A_18 : memref<1024xi32, #tpu.memory_space<hbm>>) target(%arg5 : memref<1024xi32, #tpu.memory_space<vmem>>) target_semaphore(%run_scoped3A : memref<!tpu.dma_semaphore, #tpu.memory_space<semaphore_mem>>)
      %dma_wait3A_19 = tpu.memref_slice %arg3[%add3A_4] : memref<65536xi32, #tpu.memory_space<hbm>> -> memref<1024xi32, #tpu.memory_space<hbm>>
      %dma_wait3A_20 = tpu.memref_slice %arg3[%add3A_4] : memref<65536xi32, #tpu.memory_space<hbm>> -> memref<1024xi32, #tpu.memory_space<hbm>>
      tpu.wait_dma2 semaphore(%run_scoped3A : memref<!tpu.dma_semaphore, #tpu.memory_space<semaphore_mem>>) src(%dma_wait3A_20 : memref<1024xi32, #tpu.memory_space<hbm>>) dst(%arg5 : memref<1024xi32, #tpu.memory_space<vmem>>)
      tpu.yield
    }) : () -> ()
    %dma_start3A = arith.constant 0 : i32
    %dma_start3A_5 = arith.constant 0 : i32
    %dma_start3A_6 = tpu.memref_slice %arg2[%dma_start3A, %dma_start3A_5] : memref<32768x64xf32, #tpu.memory_space<hbm>> -> memref<32768x64xf32, #tpu.memory_space<hbm>>
    tpu.enqueue_indirect_dma source(%dma_start3A_6 : memref<32768x64xf32, #tpu.memory_space<hbm>>) target(%arg6 : memref<1024x64xf32, #tpu.memory_space<vmem>>) offsets(%arg5 : memref<1024xi32, #tpu.memory_space<vmem>>) semaphore(%arg7 : memref<!tpu.dma_semaphore, #tpu.memory_space<semaphore_mem>>)
    %dma_wait3A = arith.constant 0 : i32
    %dma_wait3A_7 = arith.constant 0 : i32
    %dma_wait3A_8 = tpu.memref_slice %arg2[%dma_wait3A, %dma_wait3A_7] : memref<32768x64xf32, #tpu.memory_space<hbm>> -> memref<32768x64xf32, #tpu.memory_space<hbm>>
    tpu.wait_indirect_dma semaphore(%arg7 : memref<!tpu.dma_semaphore, #tpu.memory_space<semaphore_mem>>) src(%dma_wait3A_8 : memref<32768x64xf32, #tpu.memory_space<hbm>>) dst(%arg6 : memref<1024x64xf32, #tpu.memory_space<vmem>>)
    "tpu.region"() ({
      %run_scoped3A = tpu.sem_alloc : memref<!tpu.dma_semaphore, #tpu.memory_space<semaphore_mem>>
      %dma_start3A_17 = arith.constant 0 : i32
      %dma_start3A_18 = tpu.memref_slice %arg4[%add3A_4, %dma_start3A_17] : memref<65536x64xf32, #tpu.memory_space<hbm>> -> memref<1024x64xf32, #tpu.memory_space<hbm>>
      %dma_start3A_19 = arith.constant 0 : i32
      %dma_start3A_20 = tpu.memref_slice %arg4[%add3A_4, %dma_start3A_19] : memref<65536x64xf32, #tpu.memory_space<hbm>> -> memref<1024x64xf32, #tpu.memory_space<hbm>>
      tpu.enqueue_dma source(%arg6 : memref<1024x64xf32, #tpu.memory_space<vmem>>) target(%dma_start3A_20 : memref<1024x64xf32, #tpu.memory_space<hbm>>) target_semaphore(%run_scoped3A : memref<!tpu.dma_semaphore, #tpu.memory_space<semaphore_mem>>)
      %dma_wait3A_21 = arith.constant 0 : i32
      %dma_wait3A_22 = tpu.memref_slice %arg4[%add3A_4, %dma_wait3A_21] : memref<65536x64xf32, #tpu.memory_space<hbm>> -> memref<1024x64xf32, #tpu.memory_space<hbm>>
      %dma_wait3A_23 = arith.constant 0 : i32
      %dma_wait3A_24 = tpu.memref_slice %arg4[%add3A_4, %dma_wait3A_23] : memref<65536x64xf32, #tpu.memory_space<hbm>> -> memref<1024x64xf32, #tpu.memory_space<hbm>>
      tpu.wait_dma2 semaphore(%run_scoped3A : memref<!tpu.dma_semaphore, #tpu.memory_space<semaphore_mem>>) src(%arg6 : memref<1024x64xf32, #tpu.memory_space<vmem>>) dst(%dma_wait3A_24 : memref<1024x64xf32, #tpu.memory_space<hbm>>)
      tpu.yield
    }) : () -> ()
    %add3A_9 = arith.constant 1024 : i32
    %add3A_10 = arith.addi %mul3A_2, %add3A_9 : i32
    "tpu.region"() ({
      %run_scoped3A = tpu.sem_alloc : memref<!tpu.dma_semaphore, #tpu.memory_space<semaphore_mem>>
      %dma_start3A_17 = tpu.memref_slice %arg3[%add3A_10] : memref<65536xi32, #tpu.memory_space<hbm>> -> memref<1024xi32, #tpu.memory_space<hbm>>
      %dma_start3A_18 = tpu.memref_slice %arg3[%add3A_10] : memref<65536xi32, #tpu.memory_space<hbm>> -> memref<1024xi32, #tpu.memory_space<hbm>>
      tpu.enqueue_dma source(%dma_start3A_18 : memref<1024xi32, #tpu.memory_space<hbm>>) target(%arg5 : memref<1024xi32, #tpu.memory_space<vmem>>) target_semaphore(%run_scoped3A : memref<!tpu.dma_semaphore, #tpu.memory_space<semaphore_mem>>)
      %dma_wait3A_19 = tpu.memref_slice %arg3[%add3A_10] : memref<65536xi32, #tpu.memory_space<hbm>> -> memref<1024xi32, #tpu.memory_space<hbm>>
      %dma_wait3A_20 = tpu.memref_slice %arg3[%add3A_10] : memref<65536xi32, #tpu.memory_space<hbm>> -> memref<1024xi32, #tpu.memory_space<hbm>>
      tpu.wait_dma2 semaphore(%run_scoped3A : memref<!tpu.dma_semaphore, #tpu.memory_space<semaphore_mem>>) src(%dma_wait3A_20 : memref<1024xi32, #tpu.memory_space<hbm>>) dst(%arg5 : memref<1024xi32, #tpu.memory_space<vmem>>)
      tpu.yield
    }) : () -> ()
    %dma_start3A_11 = arith.constant 0 : i32
    %dma_start3A_12 = arith.constant 0 : i32
    %dma_start3A_13 = tpu.memref_slice %arg2[%dma_start3A_11, %dma_start3A_12] : memref<32768x64xf32, #tpu.memory_space<hbm>> -> memref<32768x64xf32, #tpu.memory_space<hbm>>
    tpu.enqueue_indirect_dma source(%dma_start3A_13 : memref<32768x64xf32, #tpu.memory_space<hbm>>) target(%arg6 : memref<1024x64xf32, #tpu.memory_space<vmem>>) offsets(%arg5 : memref<1024xi32, #tpu.memory_space<vmem>>) semaphore(%arg7 : memref<!tpu.dma_semaphore, #tpu.memory_space<semaphore_mem>>)
    %dma_wait3A_14 = arith.constant 0 : i32
    %dma_wait3A_15 = arith.constant 0 : i32
    %dma_wait3A_16 = tpu.memref_slice %arg2[%dma_wait3A_14, %dma_wait3A_15] : memref<32768x64xf32, #tpu.memory_space<hbm>> -> memref<32768x64xf32, #tpu.memory_space<hbm>>
    tpu.wait_indirect_dma semaphore(%arg7 : memref<!tpu.dma_semaphore, #tpu.memory_space<semaphore_mem>>) src(%dma_wait3A_16 : memref<32768x64xf32, #tpu.memory_space<hbm>>) dst(%arg6 : memref<1024x64xf32, #tpu.memory_space<vmem>>)
    "tpu.region"() ({
      %run_scoped3A = tpu.sem_alloc : memref<!tpu.dma_semaphore, #tpu.memory_space<semaphore_mem>>
      %dma_start3A_17 = arith.constant 0 : i32
      %dma_start3A_18 = tpu.memref_slice %arg4[%add3A_10, %dma_start3A_17] : memref<65536x64xf32, #tpu.memory_space<hbm>> -> memref<1024x64xf32, #tpu.memory_space<hbm>>
      %dma_start3A_19 = arith.constant 0 : i32
      %dma_start3A_20 = tpu.memref_slice %arg4[%add3A_10, %dma_start3A_19] : memref<65536x64xf32, #tpu.memory_space<hbm>> -> memref<1024x64xf32, #tpu.memory_space<hbm>>
      tpu.enqueue_dma source(%arg6 : memref<1024x64xf32, #tpu.memory_space<vmem>>) target(%dma_start3A_20 : memref<1024x64xf32, #tpu.memory_space<hbm>>) target_semaphore(%run_scoped3A : memref<!tpu.dma_semaphore, #tpu.memory_space<semaphore_mem>>)
      %dma_wait3A_21 = arith.constant 0 : i32
      %dma_wait3A_22 = tpu.memref_slice %arg4[%add3A_10, %dma_wait3A_21] : memref<65536x64xf32, #tpu.memory_space<hbm>> -> memref<1024x64xf32, #tpu.memory_space<hbm>>
      %dma_wait3A_23 = arith.constant 0 : i32
      %dma_wait3A_24 = tpu.memref_slice %arg4[%add3A_10, %dma_wait3A_23] : memref<65536x64xf32, #tpu.memory_space<hbm>> -> memref<1024x64xf32, #tpu.memory_space<hbm>>
      tpu.wait_dma2 semaphore(%run_scoped3A : memref<!tpu.dma_semaphore, #tpu.memory_space<semaphore_mem>>) src(%arg6 : memref<1024x64xf32, #tpu.memory_space<vmem>>) dst(%dma_wait3A_24 : memref<1024x64xf32, #tpu.memory_space<hbm>>)
      tpu.yield
    }) : () -> ()
    return
  }
}

#map = affine_map<(d0, d1) -> (0, 0)>
#map1 = affine_map<(d0, d1) -> (0)>
module attributes {stable_mosaic.version = 14 : i64} {
  func.func @k(%arg0: i32, %arg1: i32, %arg2: memref<32768x64xf32, #tpu.memory_space<hbm>>, %arg3: memref<2048xi32, #tpu.memory_space<hbm>>, %arg4: memref<2048x64xf32, #tpu.memory_space<hbm>>, %arg5: memref<64xi32, #tpu.memory_space<vmem>>, %arg6: memref<64x64xf32, #tpu.memory_space<vmem>>, %arg7: memref<!tpu.dma_semaphore, #tpu.memory_space<semaphore_mem>>) attributes {dimension_semantics = [#tpu.dimension_semantics<core_parallel>, #tpu.dimension_semantics<subcore_parallel>], iteration_bounds = array<i64: 2, 16>, scalar_prefetch = 0 : i64, scratch_operands = 3 : i64, tpu.core_type = #tpu.core_type<sc_vector_subcore>, window_params = [{transform_indices = #map}, {transform_indices = #map1}, {transform_indices = #map}]} {
    %mul3A = arith.constant 2 : i32
    %mul3A_0 = arith.muli %arg1, %mul3A : i32
    %add3A = arith.addi %mul3A_0, %arg0 : i32
    %mul3A_1 = arith.constant 64 : i32
    %mul3A_2 = arith.muli %add3A, %mul3A_1 : i32
    %add3A_3 = arith.constant 0 : i32
    %add3A_4 = arith.addi %mul3A_2, %add3A_3 : i32
    "tpu.region"() ({
      %run_scoped3A = tpu.sem_alloc : memref<!tpu.dma_semaphore, #tpu.memory_space<semaphore_mem>>
      %dma_start3A_9 = tpu.memref_slice %arg3[%add3A_4] : memref<2048xi32, #tpu.memory_space<hbm>> -> memref<64xi32, #tpu.memory_space<hbm>>
      %dma_start3A_10 = tpu.memref_slice %arg3[%add3A_4] : memref<2048xi32, #tpu.memory_space<hbm>> -> memref<64xi32, #tpu.memory_space<hbm>>
      tpu.enqueue_dma source(%dma_start3A_10 : memref<64xi32, #tpu.memory_space<hbm>>) target(%arg5 : memref<64xi32, #tpu.memory_space<vmem>>) target_semaphore(%run_scoped3A : memref<!tpu.dma_semaphore, #tpu.memory_space<semaphore_mem>>)
      %dma_wait3A_11 = tpu.memref_slice %arg3[%add3A_4] : memref<2048xi32, #tpu.memory_space<hbm>> -> memref<64xi32, #tpu.memory_space<hbm>>
      %dma_wait3A_12 = tpu.memref_slice %arg3[%add3A_4] : memref<2048xi32, #tpu.memory_space<hbm>> -> memref<64xi32, #tpu.memory_space<hbm>>
      tpu.wait_dma2 semaphore(%run_scoped3A : memref<!tpu.dma_semaphore, #tpu.memory_space<semaphore_mem>>) src(%dma_wait3A_12 : memref<64xi32, #tpu.memory_space<hbm>>) dst(%arg5 : memref<64xi32, #tpu.memory_space<vmem>>)
      tpu.yield
    }) : () -> ()
    %dma_start3A = arith.constant 0 : i32
    %dma_start3A_5 = arith.constant 0 : i32
    %dma_start3A_6 = tpu.memref_slice %arg2[%dma_start3A, %dma_start3A_5] : memref<32768x64xf32, #tpu.memory_space<hbm>> -> memref<32768x64xf32, #tpu.memory_space<hbm>>
    tpu.enqueue_indirect_dma source(%dma_start3A_6 : memref<32768x64xf32, #tpu.memory_space<hbm>>) target(%arg6 : memref<64x64xf32, #tpu.memory_space<vmem>>) offsets(%arg5 : memref<64xi32, #tpu.memory_space<vmem>>) semaphore(%arg7 : memref<!tpu.dma_semaphore, #tpu.memory_space<semaphore_mem>>)
    %dma_wait3A = arith.constant 0 : i32
    %dma_wait3A_7 = arith.constant 0 : i32
    %dma_wait3A_8 = tpu.memref_slice %arg2[%dma_wait3A, %dma_wait3A_7] : memref<32768x64xf32, #tpu.memory_space<hbm>> -> memref<32768x64xf32, #tpu.memory_space<hbm>>
    tpu.wait_indirect_dma semaphore(%arg7 : memref<!tpu.dma_semaphore, #tpu.memory_space<semaphore_mem>>) src(%dma_wait3A_8 : memref<32768x64xf32, #tpu.memory_space<hbm>>) dst(%arg6 : memref<64x64xf32, #tpu.memory_space<vmem>>)
    "tpu.region"() ({
      %run_scoped3A = tpu.sem_alloc : memref<!tpu.dma_semaphore, #tpu.memory_space<semaphore_mem>>
      %dma_start3A_9 = arith.constant 0 : i32
      %dma_start3A_10 = tpu.memref_slice %arg4[%add3A_4, %dma_start3A_9] : memref<2048x64xf32, #tpu.memory_space<hbm>> -> memref<64x64xf32, #tpu.memory_space<hbm>>
      %dma_start3A_11 = arith.constant 0 : i32
      %dma_start3A_12 = tpu.memref_slice %arg4[%add3A_4, %dma_start3A_11] : memref<2048x64xf32, #tpu.memory_space<hbm>> -> memref<64x64xf32, #tpu.memory_space<hbm>>
      tpu.enqueue_dma source(%arg6 : memref<64x64xf32, #tpu.memory_space<vmem>>) target(%dma_start3A_12 : memref<64x64xf32, #tpu.memory_space<hbm>>) target_semaphore(%run_scoped3A : memref<!tpu.dma_semaphore, #tpu.memory_space<semaphore_mem>>)
      %dma_wait3A_13 = arith.constant 0 : i32
      %dma_wait3A_14 = tpu.memref_slice %arg4[%add3A_4, %dma_wait3A_13] : memref<2048x64xf32, #tpu.memory_space<hbm>> -> memref<64x64xf32, #tpu.memory_space<hbm>>
      %dma_wait3A_15 = arith.constant 0 : i32
      %dma_wait3A_16 = tpu.memref_slice %arg4[%add3A_4, %dma_wait3A_15] : memref<2048x64xf32, #tpu.memory_space<hbm>> -> memref<64x64xf32, #tpu.memory_space<hbm>>
      tpu.wait_dma2 semaphore(%run_scoped3A : memref<!tpu.dma_semaphore, #tpu.memory_space<semaphore_mem>>) src(%arg6 : memref<64x64xf32, #tpu.memory_space<vmem>>) dst(%dma_wait3A_16 : memref<64x64xf32, #tpu.memory_space<hbm>>)
      tpu.yield
    }) : () -> ()
    return
  }
}

module attributes {stable_mosaic.version = 14 : i64} {
  func.func @_fps_body(%arg0: memref<2x3x8x2048xf32, #tpu.memory_space<vmem>>, %arg1: memref<6x16384xf32, #tpu.memory_space<smem>>, %arg2: memref<2x8x128xi32, #tpu.memory_space<vmem>>, %arg3: memref<2x3x8x128xf32, #tpu.memory_space<vmem>>) attributes {dimension_semantics = [], scalar_prefetch = 0 : i64, scratch_operands = 0 : i64, tpu.core_type = #tpu.core_type<tc>} {
    %get3A = arith.constant 0 : index
    %get3A_0 = arith.constant 0 : index
    %get3A_1 = arith.constant 0 : index
    %get3A_2 = arith.constant 0 : index
    %get3A_3 = vector.load %arg0[%get3A, %get3A_0, %get3A_1, %get3A_2] : memref<2x3x8x2048xf32, #tpu.memory_space<vmem>>, vector<1x1x8x2048xf32>
    %get3A_4 = vector.shape_cast %get3A_3 : vector<1x1x8x2048xf32> to vector<8x2048xf32>
    %get3A_5 = arith.constant 0 : index
    %get3A_6 = arith.constant 1 : index
    %get3A_7 = arith.constant 0 : index
    %get3A_8 = arith.constant 0 : index
    %get3A_9 = vector.load %arg0[%get3A_5, %get3A_6, %get3A_7, %get3A_8] : memref<2x3x8x2048xf32, #tpu.memory_space<vmem>>, vector<1x1x8x2048xf32>
    %get3A_10 = vector.shape_cast %get3A_9 : vector<1x1x8x2048xf32> to vector<8x2048xf32>
    %get3A_11 = arith.constant 0 : index
    %get3A_12 = arith.constant 2 : index
    %get3A_13 = arith.constant 0 : index
    %get3A_14 = arith.constant 0 : index
    %get3A_15 = vector.load %arg0[%get3A_11, %get3A_12, %get3A_13, %get3A_14] : memref<2x3x8x2048xf32, #tpu.memory_space<vmem>>, vector<1x1x8x2048xf32>
    %get3A_16 = vector.shape_cast %get3A_15 : vector<1x1x8x2048xf32> to vector<8x2048xf32>
    %get3A_17 = arith.constant 1 : index
    %get3A_18 = arith.constant 0 : index
    %get3A_19 = arith.constant 0 : index
    %get3A_20 = arith.constant 0 : index
    %get3A_21 = vector.load %arg0[%get3A_17, %get3A_18, %get3A_19, %get3A_20] : memref<2x3x8x2048xf32, #tpu.memory_space<vmem>>, vector<1x1x8x2048xf32>
    %get3A_22 = vector.shape_cast %get3A_21 : vector<1x1x8x2048xf32> to vector<8x2048xf32>
    %get3A_23 = arith.constant 1 : index
    %get3A_24 = arith.constant 1 : index
    %get3A_25 = arith.constant 0 : index
    %get3A_26 = arith.constant 0 : index
    %get3A_27 = vector.load %arg0[%get3A_23, %get3A_24, %get3A_25, %get3A_26] : memref<2x3x8x2048xf32, #tpu.memory_space<vmem>>, vector<1x1x8x2048xf32>
    %get3A_28 = vector.shape_cast %get3A_27 : vector<1x1x8x2048xf32> to vector<8x2048xf32>
    %get3A_29 = arith.constant 1 : index
    %get3A_30 = arith.constant 2 : index
    %get3A_31 = arith.constant 0 : index
    %get3A_32 = arith.constant 0 : index
    %get3A_33 = vector.load %arg0[%get3A_29, %get3A_30, %get3A_31, %get3A_32] : memref<2x3x8x2048xf32, #tpu.memory_space<vmem>>, vector<1x1x8x2048xf32>
    %get3A_34 = vector.shape_cast %get3A_33 : vector<1x1x8x2048xf32> to vector<8x2048xf32>
    %iota3A = tpu.iota {dimensions = array<i32: 0>} : vector<8x2048xi32>
    %mul3A = arith.constant 2048 : i32
    %mul3A_35 = vector.broadcast %mul3A : i32 to vector<8x2048xi32>
    %mul3A_36 = arith.muli %iota3A, %mul3A_35 : vector<8x2048xi32>
    %iota3A_37 = tpu.iota {dimensions = array<i32: 1>} : vector<8x2048xi32>
    %add3A = arith.addi %mul3A_36, %iota3A_37 : vector<8x2048xi32>
    %iota3A_38 = tpu.iota {dimensions = array<i32: 0>} : vector<8x128xi32>
    %mul3A_39 = arith.constant 128 : i32
    %mul3A_40 = vector.broadcast %mul3A_39 : i32 to vector<8x128xi32>
    %mul3A_41 = arith.muli %iota3A_38, %mul3A_40 : vector<8x128xi32>
    %iota3A_42 = tpu.iota {dimensions = array<i32: 1>} : vector<8x128xi32>
    %add3A_43 = arith.addi %mul3A_41, %iota3A_42 : vector<8x128xi32>
    %broadcast_in_dim3A = arith.constant 1.000000e+10 : f32
    %broadcast_in_dim3A_44 = vector.broadcast %broadcast_in_dim3A : f32 to vector<8x2048xf32>
    %broadcast_in_dim3A_45 = arith.constant 1.000000e+10 : f32
    %broadcast_in_dim3A_46 = vector.broadcast %broadcast_in_dim3A_45 : f32 to vector<8x2048xf32>
    %broadcast_in_dim3A_47 = arith.constant 0 : i32
    %broadcast_in_dim3A_48 = vector.broadcast %broadcast_in_dim3A_47 : i32 to vector<8x128xi32>
    %broadcast_in_dim3A_49 = arith.constant 0.000000e+00 : f32
    %broadcast_in_dim3A_50 = vector.broadcast %broadcast_in_dim3A_49 : f32 to vector<8x128xf32>
    %broadcast_in_dim3A_51 = arith.constant 0.000000e+00 : f32
    %broadcast_in_dim3A_52 = vector.broadcast %broadcast_in_dim3A_51 : f32 to vector<8x128xf32>
    %broadcast_in_dim3A_53 = arith.constant 0.000000e+00 : f32
    %broadcast_in_dim3A_54 = vector.broadcast %broadcast_in_dim3A_53 : f32 to vector<8x128xf32>
    %broadcast_in_dim3A_55 = arith.constant 0 : i32
    %broadcast_in_dim3A_56 = vector.broadcast %broadcast_in_dim3A_55 : i32 to vector<8x128xi32>
    %broadcast_in_dim3A_57 = arith.constant 0.000000e+00 : f32
    %broadcast_in_dim3A_58 = vector.broadcast %broadcast_in_dim3A_57 : f32 to vector<8x128xf32>
    %broadcast_in_dim3A_59 = arith.constant 0.000000e+00 : f32
    %broadcast_in_dim3A_60 = vector.broadcast %broadcast_in_dim3A_59 : f32 to vector<8x128xf32>
    %broadcast_in_dim3A_61 = arith.constant 0.000000e+00 : f32
    %broadcast_in_dim3A_62 = vector.broadcast %broadcast_in_dim3A_61 : f32 to vector<8x128xf32>
    %scan3A = arith.constant 0 : i32
    %scan3A_63 = arith.constant 0 : i32
    %scan3A_64 = arith.constant 0 : i32
    %scan3A_65 = arith.constant 1024 : i32
    %scan3A_66 = arith.addi %scan3A_64, %scan3A_65 : i32
    %scan3A_67 = arith.constant 1 : i32
    %scan3A_68:12 = scf.for %scan3A_123 = %scan3A_64 to %scan3A_66 step %scan3A_67 iter_args(%scan3A_124 = %broadcast_in_dim3A_44, %scan3A_125 = %broadcast_in_dim3A_46, %scan3A_126 = %scan3A, %scan3A_127 = %scan3A_63, %scan3A_128 = %broadcast_in_dim3A_48, %scan3A_129 = %broadcast_in_dim3A_50, %scan3A_130 = %broadcast_in_dim3A_52, %scan3A_131 = %broadcast_in_dim3A_54, %scan3A_132 = %broadcast_in_dim3A_56, %scan3A_133 = %broadcast_in_dim3A_58, %scan3A_134 = %broadcast_in_dim3A_60, %scan3A_135 = %broadcast_in_dim3A_62) -> (vector<8x2048xf32>, vector<8x2048xf32>, i32, i32, vector<8x128xi32>, vector<8x128xf32>, vector<8x128xf32>, vector<8x128xf32>, vector<8x128xi32>, vector<8x128xf32>, vector<8x128xf32>, vector<8x128xf32>)  : i32 {
      %eq3A = vector.broadcast %scan3A_123 : i32 to vector<8x128xi32>
      %eq3A_136 = arith.cmpi eq, %add3A_43, %eq3A : vector<8x128xi32>
      %get3A_137 = arith.constant 0 : index
      %get3A_138 = arith.index_cast %scan3A_126 : i32 to index
      %get3A_139 = memref.load %arg1[%get3A_137, %get3A_138] : memref<6x16384xf32, #tpu.memory_space<smem>>
      %get3A_140 = arith.constant 1 : index
      %get3A_141 = arith.index_cast %scan3A_126 : i32 to index
      %get3A_142 = memref.load %arg1[%get3A_140, %get3A_141] : memref<6x16384xf32, #tpu.memory_space<smem>>
      %get3A_143 = arith.constant 2 : index
      %get3A_144 = arith.index_cast %scan3A_126 : i32 to index
      %get3A_145 = memref.load %arg1[%get3A_143, %get3A_144] : memref<6x16384xf32, #tpu.memory_space<smem>>
      %broadcast_in_dim3A_146 = vector.broadcast %scan3A_126 : i32 to vector<8x128xi32>
      %select_n3A = arith.select %eq3A_136, %broadcast_in_dim3A_146, %scan3A_128 : vector<8x128xi1>, vector<8x128xi32>
      %broadcast_in_dim3A_147 = vector.broadcast %get3A_139 : f32 to vector<8x128xf32>
      %select_n3A_148 = arith.select %eq3A_136, %broadcast_in_dim3A_147, %scan3A_129 : vector<8x128xi1>, vector<8x128xf32>
      %broadcast_in_dim3A_149 = vector.broadcast %get3A_142 : f32 to vector<8x128xf32>
      %select_n3A_150 = arith.select %eq3A_136, %broadcast_in_dim3A_149, %scan3A_130 : vector<8x128xi1>, vector<8x128xf32>
      %broadcast_in_dim3A_151 = vector.broadcast %get3A_145 : f32 to vector<8x128xf32>
      %select_n3A_152 = arith.select %eq3A_136, %broadcast_in_dim3A_151, %scan3A_131 : vector<8x128xi1>, vector<8x128xf32>
      %sub3A = vector.broadcast %get3A_139 : f32 to vector<8x2048xf32>
      %sub3A_153 = arith.subf %get3A_4, %sub3A : vector<8x2048xf32>
      %sub3A_154 = vector.broadcast %get3A_142 : f32 to vector<8x2048xf32>
      %sub3A_155 = arith.subf %get3A_10, %sub3A_154 : vector<8x2048xf32>
      %sub3A_156 = vector.broadcast %get3A_145 : f32 to vector<8x2048xf32>
      %sub3A_157 = arith.subf %get3A_16, %sub3A_156 : vector<8x2048xf32>
      %mul3A_158 = arith.mulf %sub3A_153, %sub3A_153 : vector<8x2048xf32>
      %mul3A_159 = arith.mulf %sub3A_155, %sub3A_155 : vector<8x2048xf32>
      %add3A_160 = arith.addf %mul3A_158, %mul3A_159 : vector<8x2048xf32>
      %mul3A_161 = arith.mulf %sub3A_157, %sub3A_157 : vector<8x2048xf32>
      %add3A_162 = arith.addf %add3A_160, %mul3A_161 : vector<8x2048xf32>
      %min3A = arith.minimumf %scan3A_124, %add3A_162 : vector<8x2048xf32>
      %reduce_max3A = vector.shape_cast %min3A : vector<8x2048xf32> to vector<1x8x2048xf32>
      %reduce_max3A_163 = arith.constant dense<0xFF800000> : vector<1xf32>
      %reduce_max3A_164 = vector.multi_reduction <maximumf>, %reduce_max3A, %reduce_max3A_163 [1, 2] : vector<1x8x2048xf32> to vector<1xf32>
      %reduce_max3A_165 = vector.shape_cast %reduce_max3A_164 : vector<1xf32> to vector<1x1x1xf32>
      %reduce_max3A_166 = vector.extract %reduce_max3A_165[0, 0, 0] : f32 from vector<1x1x1xf32>
      %eq3A_167 = vector.broadcast %reduce_max3A_166 : f32 to vector<8x2048xf32>
      %eq3A_168 = arith.cmpf oeq, %min3A, %eq3A_167 : vector<8x2048xf32>
      %jit3A = arith.constant 1073741824 : i32
      %broadcast_in_dim3A_169 = vector.broadcast %jit3A : i32 to vector<8x2048xi32>
      %select_n3A_170 = arith.select %eq3A_168, %add3A, %broadcast_in_dim3A_169 : vector<8x2048xi1>, vector<8x2048xi32>
      %reduce_min3A = vector.shape_cast %select_n3A_170 : vector<8x2048xi32> to vector<1x8x2048xi32>
      %reduce_min3A_171 = arith.constant dense<2147483647> : vector<1xi32>
      %reduce_min3A_172 = vector.multi_reduction <minsi>, %reduce_min3A, %reduce_min3A_171 [1, 2] : vector<1x8x2048xi32> to vector<1xi32>
      %reduce_min3A_173 = vector.shape_cast %reduce_min3A_172 : vector<1xi32> to vector<1x1x1xi32>
      %reduce_min3A_174 = vector.extract %reduce_min3A_173[0, 0, 0] : i32 from vector<1x1x1xi32>
      %get3A_175 = arith.constant 3 : index
      %get3A_176 = arith.index_cast %scan3A_127 : i32 to index
      %get3A_177 = memref.load %arg1[%get3A_175, %get3A_176] : memref<6x16384xf32, #tpu.memory_space<smem>>
      %get3A_178 = arith.constant 4 : index
      %get3A_179 = arith.index_cast %scan3A_127 : i32 to index
      %get3A_180 = memref.load %arg1[%get3A_178, %get3A_179] : memref<6x16384xf32, #tpu.memory_space<smem>>
      %get3A_181 = arith.constant 5 : index
      %get3A_182 = arith.index_cast %scan3A_127 : i32 to index
      %get3A_183 = memref.load %arg1[%get3A_181, %get3A_182] : memref<6x16384xf32, #tpu.memory_space<smem>>
      %broadcast_in_dim3A_184 = vector.broadcast %scan3A_127 : i32 to vector<8x128xi32>
      %select_n3A_185 = arith.select %eq3A_136, %broadcast_in_dim3A_184, %scan3A_132 : vector<8x128xi1>, vector<8x128xi32>
      %broadcast_in_dim3A_186 = vector.broadcast %get3A_177 : f32 to vector<8x128xf32>
      %select_n3A_187 = arith.select %eq3A_136, %broadcast_in_dim3A_186, %scan3A_133 : vector<8x128xi1>, vector<8x128xf32>
      %broadcast_in_dim3A_188 = vector.broadcast %get3A_180 : f32 to vector<8x128xf32>
      %select_n3A_189 = arith.select %eq3A_136, %broadcast_in_dim3A_188, %scan3A_134 : vector<8x128xi1>, vector<8x128xf32>
      %broadcast_in_dim3A_190 = vector.broadcast %get3A_183 : f32 to vector<8x128xf32>
      %select_n3A_191 = arith.select %eq3A_136, %broadcast_in_dim3A_190, %scan3A_135 : vector<8x128xi1>, vector<8x128xf32>
      %sub3A_192 = vector.broadcast %get3A_177 : f32 to vector<8x2048xf32>
      %sub3A_193 = arith.subf %get3A_22, %sub3A_192 : vector<8x2048xf32>
      %sub3A_194 = vector.broadcast %get3A_180 : f32 to vector<8x2048xf32>
      %sub3A_195 = arith.subf %get3A_28, %sub3A_194 : vector<8x2048xf32>
      %sub3A_196 = vector.broadcast %get3A_183 : f32 to vector<8x2048xf32>
      %sub3A_197 = arith.subf %get3A_34, %sub3A_196 : vector<8x2048xf32>
      %mul3A_198 = arith.mulf %sub3A_193, %sub3A_193 : vector<8x2048xf32>
      %mul3A_199 = arith.mulf %sub3A_195, %sub3A_195 : vector<8x2048xf32>
      %add3A_200 = arith.addf %mul3A_198, %mul3A_199 : vector<8x2048xf32>
      %mul3A_201 = arith.mulf %sub3A_197, %sub3A_197 : vector<8x2048xf32>
      %add3A_202 = arith.addf %add3A_200, %mul3A_201 : vector<8x2048xf32>
      %min3A_203 = arith.minimumf %scan3A_125, %add3A_202 : vector<8x2048xf32>
      %reduce_max3A_204 = vector.shape_cast %min3A_203 : vector<8x2048xf32> to vector<1x8x2048xf32>
      %reduce_max3A_205 = arith.constant dense<0xFF800000> : vector<1xf32>
      %reduce_max3A_206 = vector.multi_reduction <maximumf>, %reduce_max3A_204, %reduce_max3A_205 [1, 2] : vector<1x8x2048xf32> to vector<1xf32>
      %reduce_max3A_207 = vector.shape_cast %reduce_max3A_206 : vector<1xf32> to vector<1x1x1xf32>
      %reduce_max3A_208 = vector.extract %reduce_max3A_207[0, 0, 0] : f32 from vector<1x1x1xf32>
      %eq3A_209 = vector.broadcast %reduce_max3A_208 : f32 to vector<8x2048xf32>
      %eq3A_210 = arith.cmpf oeq, %min3A_203, %eq3A_209 : vector<8x2048xf32>
      %jit3A_211 = arith.constant 1073741824 : i32
      %broadcast_in_dim3A_212 = vector.broadcast %jit3A_211 : i32 to vector<8x2048xi32>
      %select_n3A_213 = arith.select %eq3A_210, %add3A, %broadcast_in_dim3A_212 : vector<8x2048xi1>, vector<8x2048xi32>
      %reduce_min3A_214 = vector.shape_cast %select_n3A_213 : vector<8x2048xi32> to vector<1x8x2048xi32>
      %reduce_min3A_215 = arith.constant dense<2147483647> : vector<1xi32>
      %reduce_min3A_216 = vector.multi_reduction <minsi>, %reduce_min3A_214, %reduce_min3A_215 [1, 2] : vector<1x8x2048xi32> to vector<1xi32>
      %reduce_min3A_217 = vector.shape_cast %reduce_min3A_216 : vector<1xi32> to vector<1x1x1xi32>
      %reduce_min3A_218 = vector.extract %reduce_min3A_217[0, 0, 0] : i32 from vector<1x1x1xi32>
      scf.yield %min3A, %min3A_203, %reduce_min3A_174, %reduce_min3A_218, %select_n3A, %select_n3A_148, %select_n3A_150, %select_n3A_152, %select_n3A_185, %select_n3A_187, %select_n3A_189, %select_n3A_191 : vector<8x2048xf32>, vector<8x2048xf32>, i32, i32, vector<8x128xi32>, vector<8x128xf32>, vector<8x128xf32>, vector<8x128xf32>, vector<8x128xi32>, vector<8x128xf32>, vector<8x128xf32>, vector<8x128xf32>
    }
    %scan3A_69 = arith.constant 1024 : i32
    %swap3A = arith.constant 0 : index
    %swap3A_70 = arith.constant 0 : index
    %swap3A_71 = arith.constant 0 : index
    %swap3A_72 = vector.load %arg2[%swap3A, %swap3A_70, %swap3A_71] : memref<2x8x128xi32, #tpu.memory_space<vmem>>, vector<1x8x128xi32>
    %swap3A_73 = vector.shape_cast %swap3A_72 : vector<1x8x128xi32> to vector<8x128xi32>
    %swap3A_74 = vector.shape_cast %scan3A_68#4 : vector<8x128xi32> to vector<1x8x128xi32>
    tpu.vector_store %arg2[%swap3A, %swap3A_70, %swap3A_71], %swap3A_74 {strides = array<i32>} : memref<2x8x128xi32, #tpu.memory_space<vmem>>, vector<1x8x128xi32>,
    %swap3A_75 = arith.constant 0 : index
    %swap3A_76 = arith.constant 0 : index
    %swap3A_77 = arith.constant 0 : index
    %swap3A_78 = arith.constant 0 : index
    %swap3A_79 = vector.load %arg3[%swap3A_75, %swap3A_76, %swap3A_77, %swap3A_78] : memref<2x3x8x128xf32, #tpu.memory_space<vmem>>, vector<1x1x8x128xf32>
    %swap3A_80 = vector.shape_cast %swap3A_79 : vector<1x1x8x128xf32> to vector<8x128xf32>
    %swap3A_81 = vector.shape_cast %scan3A_68#5 : vector<8x128xf32> to vector<1x1x8x128xf32>
    tpu.vector_store %arg3[%swap3A_75, %swap3A_76, %swap3A_77, %swap3A_78], %swap3A_81 {strides = array<i32>} : memref<2x3x8x128xf32, #tpu.memory_space<vmem>>, vector<1x1x8x128xf32>,
    %swap3A_82 = arith.constant 0 : index
    %swap3A_83 = arith.constant 1 : index
    %swap3A_84 = arith.constant 0 : index
    %swap3A_85 = arith.constant 0 : index
    %swap3A_86 = vector.load %arg3[%swap3A_82, %swap3A_83, %swap3A_84, %swap3A_85] : memref<2x3x8x128xf32, #tpu.memory_space<vmem>>, vector<1x1x8x128xf32>
    %swap3A_87 = vector.shape_cast %swap3A_86 : vector<1x1x8x128xf32> to vector<8x128xf32>
    %swap3A_88 = vector.shape_cast %scan3A_68#6 : vector<8x128xf32> to vector<1x1x8x128xf32>
    tpu.vector_store %arg3[%swap3A_82, %swap3A_83, %swap3A_84, %swap3A_85], %swap3A_88 {strides = array<i32>} : memref<2x3x8x128xf32, #tpu.memory_space<vmem>>, vector<1x1x8x128xf32>,
    %swap3A_89 = arith.constant 0 : index
    %swap3A_90 = arith.constant 2 : index
    %swap3A_91 = arith.constant 0 : index
    %swap3A_92 = arith.constant 0 : index
    %swap3A_93 = vector.load %arg3[%swap3A_89, %swap3A_90, %swap3A_91, %swap3A_92] : memref<2x3x8x128xf32, #tpu.memory_space<vmem>>, vector<1x1x8x128xf32>
    %swap3A_94 = vector.shape_cast %swap3A_93 : vector<1x1x8x128xf32> to vector<8x128xf32>
    %swap3A_95 = vector.shape_cast %scan3A_68#7 : vector<8x128xf32> to vector<1x1x8x128xf32>
    tpu.vector_store %arg3[%swap3A_89, %swap3A_90, %swap3A_91, %swap3A_92], %swap3A_95 {strides = array<i32>} : memref<2x3x8x128xf32, #tpu.memory_space<vmem>>, vector<1x1x8x128xf32>,
    %swap3A_96 = arith.constant 1 : index
    %swap3A_97 = arith.constant 0 : index
    %swap3A_98 = arith.constant 0 : index
    %swap3A_99 = vector.load %arg2[%swap3A_96, %swap3A_97, %swap3A_98] : memref<2x8x128xi32, #tpu.memory_space<vmem>>, vector<1x8x128xi32>
    %swap3A_100 = vector.shape_cast %swap3A_99 : vector<1x8x128xi32> to vector<8x128xi32>
    %swap3A_101 = vector.shape_cast %scan3A_68#8 : vector<8x128xi32> to vector<1x8x128xi32>
    tpu.vector_store %arg2[%swap3A_96, %swap3A_97, %swap3A_98], %swap3A_101 {strides = array<i32>} : memref<2x8x128xi32, #tpu.memory_space<vmem>>, vector<1x8x128xi32>,
    %swap3A_102 = arith.constant 1 : index
    %swap3A_103 = arith.constant 0 : index
    %swap3A_104 = arith.constant 0 : index
    %swap3A_105 = arith.constant 0 : index
    %swap3A_106 = vector.load %arg3[%swap3A_102, %swap3A_103, %swap3A_104, %swap3A_105] : memref<2x3x8x128xf32, #tpu.memory_space<vmem>>, vector<1x1x8x128xf32>
    %swap3A_107 = vector.shape_cast %swap3A_106 : vector<1x1x8x128xf32> to vector<8x128xf32>
    %swap3A_108 = vector.shape_cast %scan3A_68#9 : vector<8x128xf32> to vector<1x1x8x128xf32>
    tpu.vector_store %arg3[%swap3A_102, %swap3A_103, %swap3A_104, %swap3A_105], %swap3A_108 {strides = array<i32>} : memref<2x3x8x128xf32, #tpu.memory_space<vmem>>, vector<1x1x8x128xf32>,
    %swap3A_109 = arith.constant 1 : index
    %swap3A_110 = arith.constant 1 : index
    %swap3A_111 = arith.constant 0 : index
    %swap3A_112 = arith.constant 0 : index
    %swap3A_113 = vector.load %arg3[%swap3A_109, %swap3A_110, %swap3A_111, %swap3A_112] : memref<2x3x8x128xf32, #tpu.memory_space<vmem>>, vector<1x1x8x128xf32>
    %swap3A_114 = vector.shape_cast %swap3A_113 : vector<1x1x8x128xf32> to vector<8x128xf32>
    %swap3A_115 = vector.shape_cast %scan3A_68#10 : vector<8x128xf32> to vector<1x1x8x128xf32>
    tpu.vector_store %arg3[%swap3A_109, %swap3A_110, %swap3A_111, %swap3A_112], %swap3A_115 {strides = array<i32>} : memref<2x3x8x128xf32, #tpu.memory_space<vmem>>, vector<1x1x8x128xf32>,
    %swap3A_116 = arith.constant 1 : index
    %swap3A_117 = arith.constant 2 : index
    %swap3A_118 = arith.constant 0 : index
    %swap3A_119 = arith.constant 0 : index
    %swap3A_120 = vector.load %arg3[%swap3A_116, %swap3A_117, %swap3A_118, %swap3A_119] : memref<2x3x8x128xf32, #tpu.memory_space<vmem>>, vector<1x1x8x128xf32>
    %swap3A_121 = vector.shape_cast %swap3A_120 : vector<1x1x8x128xf32> to vector<8x128xf32>
    %swap3A_122 = vector.shape_cast %scan3A_68#11 : vector<8x128xf32> to vector<1x1x8x128xf32>
    tpu.vector_store %arg3[%swap3A_116, %swap3A_117, %swap3A_118, %swap3A_119], %swap3A_122 {strides = array<i32>} : memref<2x3x8x128xf32, #tpu.memory_space<vmem>>, vector<1x1x8x128xf32>,
    return
  }
}

module attributes {stable_mosaic.version = 14 : i64} {
  func.func @_knn_body(%arg0: i32, %arg1: i32, %arg2: memref<1x128x3xf32, #tpu.memory_space<vmem>>, %arg3: memref<1x3x16384xf32, #tpu.memory_space<vmem>>, %arg4: memref<1x128x32xi32, #tpu.memory_space<vmem>>, %arg5: memref<128x16384xf32, #tpu.memory_space<vmem>>) attributes {dimension_semantics = [#tpu.dimension_semantics<arbitrary>, #tpu.dimension_semantics<arbitrary>], iteration_bounds = array<i64: 2, 8>, scalar_prefetch = 0 : i64, scratch_operands = 1 : i64, tpu.core_type = #tpu.core_type<tc>, window_params = [{transform_indices = @transform_0, window_bounds = array<i64: 1, 128, 3>}, {transform_indices = @transform_1, window_bounds = array<i64: 1, 3, 16384>}, {transform_indices = @transform_2, window_bounds = array<i64: 1, 128, 32>}]} {
    %get3A = arith.constant 0 : index
    %get3A_0 = arith.constant 0 : index
    %get3A_1 = arith.constant 0 : index
    %get3A_2 = vector.load %arg2[%get3A, %get3A_0, %get3A_1] : memref<1x128x3xf32, #tpu.memory_space<vmem>>, vector<1x128x3xf32>
    %get3A_3 = vector.shape_cast %get3A_2 : vector<1x128x3xf32> to vector<128x3xf32>
    %slice3A = vector.extract_strided_slice %get3A_3 {offsets = [0, 0], sizes = [128, 1], strides = [1, 1]} : vector<128x3xf32> to vector<128x1xf32>
    %slice3A_4 = vector.extract_strided_slice %get3A_3 {offsets = [0, 1], sizes = [128, 1], strides = [1, 1]} : vector<128x3xf32> to vector<128x1xf32>
    %slice3A_5 = vector.extract_strided_slice %get3A_3 {offsets = [0, 2], sizes = [128, 1], strides = [1, 1]} : vector<128x3xf32> to vector<128x1xf32>
    %get3A_6 = arith.constant 0 : index
    %get3A_7 = arith.constant 0 : index
    %get3A_8 = arith.constant 0 : index
    %get3A_9 = vector.load %arg3[%get3A_6, %get3A_7, %get3A_8] : memref<1x3x16384xf32, #tpu.memory_space<vmem>>, vector<1x1x16384xf32>
    %get3A_10 = vector.shape_cast %get3A_9 : vector<1x1x16384xf32> to vector<1x16384xf32>
    %get3A_11 = arith.constant 0 : index
    %get3A_12 = arith.constant 1 : index
    %get3A_13 = arith.constant 0 : index
    %get3A_14 = vector.load %arg3[%get3A_11, %get3A_12, %get3A_13] : memref<1x3x16384xf32, #tpu.memory_space<vmem>>, vector<1x1x16384xf32>
    %get3A_15 = vector.shape_cast %get3A_14 : vector<1x1x16384xf32> to vector<1x16384xf32>
    %get3A_16 = arith.constant 0 : index
    %get3A_17 = arith.constant 2 : index
    %get3A_18 = arith.constant 0 : index
    %get3A_19 = vector.load %arg3[%get3A_16, %get3A_17, %get3A_18] : memref<1x3x16384xf32, #tpu.memory_space<vmem>>, vector<1x1x16384xf32>
    %get3A_20 = vector.shape_cast %get3A_19 : vector<1x1x16384xf32> to vector<1x16384xf32>
    %mul3A = arith.mulf %slice3A, %slice3A : vector<128x1xf32>
    %mul3A_21 = arith.mulf %slice3A_4, %slice3A_4 : vector<128x1xf32>
    %add3A = arith.addf %mul3A, %mul3A_21 : vector<128x1xf32>
    %mul3A_22 = arith.mulf %slice3A_5, %slice3A_5 : vector<128x1xf32>
    %add3A_23 = arith.addf %add3A, %mul3A_22 : vector<128x1xf32>
    %mul3A_24 = arith.mulf %get3A_10, %get3A_10 : vector<1x16384xf32>
    %mul3A_25 = arith.mulf %get3A_15, %get3A_15 : vector<1x16384xf32>
    %add3A_26 = arith.addf %mul3A_24, %mul3A_25 : vector<1x16384xf32>
    %mul3A_27 = arith.mulf %get3A_20, %get3A_20 : vector<1x16384xf32>
    %add3A_28 = arith.addf %add3A_26, %mul3A_27 : vector<1x16384xf32>
    %convert_element_type3A = arith.truncf %get3A_3 : vector<128x3xf32> to vector<128x3xbf16>
    %get3A_29 = arith.constant 0 : index
    %get3A_30 = arith.constant 0 : index
    %get3A_31 = arith.constant 0 : index
    %get3A_32 = vector.load %arg3[%get3A_29, %get3A_30, %get3A_31] : memref<1x3x16384xf32, #tpu.memory_space<vmem>>, vector<1x3x16384xf32>
    %get3A_33 = vector.shape_cast %get3A_32 : vector<1x3x16384xf32> to vector<3x16384xf32>
    %convert_element_type3A_34 = arith.truncf %get3A_33 : vector<3x16384xf32> to vector<3x16384xbf16>
    %dot_general3A = arith.constant dense<0.000000e+00> : vector<128x16384xf32>
    %dot_general3A_35 = tpu.matmul %convert_element_type3A, %convert_element_type3A_34, %dot_general3A {dimension_numbers = #tpu.dot_dimension_numbers<[1], [0], [0], [1], [0, 0, 1, 1], [], []>, transpose_lhs_hint = false} : vector<128x3xbf16>, vector<3x16384xbf16>, vector<128x16384xf32> -> vector<128x16384xf32>
    %add3A_36 = vector.broadcast %add3A_23 : vector<128x1xf32> to vector<128x16384xf32>
    %add3A_37 = vector.broadcast %add3A_28 : vector<1x16384xf32> to vector<128x16384xf32>
    %add3A_38 = arith.addf %add3A_36, %add3A_37 : vector<128x16384xf32>
    %mul3A_39 = arith.constant 2.000000e+00 : f32
    %mul3A_40 = vector.broadcast %mul3A_39 : f32 to vector<128x16384xf32>
    %mul3A_41 = arith.mulf %mul3A_40, %dot_general3A_35 : vector<128x16384xf32>
    %sub3A = arith.subf %add3A_38, %mul3A_41 : vector<128x16384xf32>
    %swap3A = arith.constant 0 : index
    %swap3A_42 = arith.constant 0 : index
    %swap3A_43 = vector.load %arg5[%swap3A, %swap3A_42] : memref<128x16384xf32, #tpu.memory_space<vmem>>, vector<128x16384xf32>
    tpu.vector_store %arg5[%swap3A, %swap3A_42], %sub3A {strides = array<i32>} : memref<128x16384xf32, #tpu.memory_space<vmem>>, vector<128x16384xf32>,
    %iota3A = tpu.iota {dimensions = array<i32: 1>} : vector<128x16384xi32>
    %iota3A_44 = tpu.iota {dimensions = array<i32: 1>} : vector<128x32xi32>
    %broadcast_in_dim3A = arith.constant 0 : i32
    %broadcast_in_dim3A_45 = vector.broadcast %broadcast_in_dim3A : i32 to vector<128x32xi32>
    %scan3A = arith.constant 0 : i32
    %scan3A_46 = arith.constant 32 : i32
    %scan3A_47 = arith.addi %scan3A, %scan3A_46 : i32
    %scan3A_48 = arith.constant 1 : i32
    %scan3A_49 = scf.for %scan3A_57 = %scan3A to %scan3A_47 step %scan3A_48 iter_args(%scan3A_58 = %broadcast_in_dim3A_45) -> (vector<128x32xi32>)  : i32 {
      %get3A_59 = arith.constant 0 : index
      %get3A_60 = arith.constant 0 : index
      %get3A_61 = vector.load %arg5[%get3A_59, %get3A_60] : memref<128x16384xf32, #tpu.memory_space<vmem>>, vector<128x16384xf32>
      %reduce_min3A = arith.constant dense<0x7F800000> : vector<128xf32>
      %reduce_min3A_62 = vector.multi_reduction <minimumf>, %get3A_61, %reduce_min3A [1] : vector<128x16384xf32> to vector<128xf32>
      %broadcast_in_dim3A_63 = vector.shape_cast %reduce_min3A_62 : vector<128xf32> to vector<128x1xf32>
      %eq3A = vector.broadcast %broadcast_in_dim3A_63 : vector<128x1xf32> to vector<128x16384xf32>
      %eq3A_64 = arith.cmpf oeq, %get3A_61, %eq3A : vector<128x16384xf32>
      %jit3A = arith.constant 1073741824 : i32
      %broadcast_in_dim3A_65 = vector.broadcast %jit3A : i32 to vector<128x16384xi32>
      %select_n3A = arith.select %eq3A_64, %iota3A, %broadcast_in_dim3A_65 : vector<128x16384xi1>, vector<128x16384xi32>
      %reduce_min3A_66 = arith.constant dense<2147483647> : vector<128xi32>
      %reduce_min3A_67 = vector.multi_reduction <minsi>, %select_n3A, %reduce_min3A_66 [1] : vector<128x16384xi32> to vector<128xi32>
      %broadcast_in_dim3A_68 = vector.shape_cast %reduce_min3A_67 : vector<128xi32> to vector<128x1xi32>
      %eq3A_69 = vector.broadcast %scan3A_57 : i32 to vector<128x32xi32>
      %eq3A_70 = arith.cmpi eq, %iota3A_44, %eq3A_69 : vector<128x32xi32>
      %broadcast_in_dim3A_71 = vector.shape_cast %broadcast_in_dim3A_68 : vector<128x1xi32> to vector<128x1xi32>
      %broadcast_in_dim3A_72 = vector.broadcast %broadcast_in_dim3A_71 : vector<128x1xi32> to vector<128x32xi32>
      %select_n3A_73 = arith.select %eq3A_70, %broadcast_in_dim3A_72, %scan3A_58 : vector<128x32xi1>, vector<128x32xi32>
      %eq3A_74 = vector.broadcast %broadcast_in_dim3A_68 : vector<128x1xi32> to vector<128x16384xi32>
      %eq3A_75 = arith.cmpi eq, %iota3A, %eq3A_74 : vector<128x16384xi32>
      %jit3A_76 = arith.constant 0x7F800000 : f32
      %broadcast_in_dim3A_77 = vector.broadcast %jit3A_76 : f32 to vector<128x16384xf32>
      %select_n3A_78 = arith.select %eq3A_75, %broadcast_in_dim3A_77, %get3A_61 : vector<128x16384xi1>, vector<128x16384xf32>
      %swap3A_79 = arith.constant 0 : index
      %swap3A_80 = arith.constant 0 : index
      %swap3A_81 = vector.load %arg5[%swap3A_79, %swap3A_80] : memref<128x16384xf32, #tpu.memory_space<vmem>>, vector<128x16384xf32>
      tpu.vector_store %arg5[%swap3A_79, %swap3A_80], %select_n3A_78 {strides = array<i32>} : memref<128x16384xf32, #tpu.memory_space<vmem>>, vector<128x16384xf32>,
      scf.yield %select_n3A_73 : vector<128x32xi32>
    }
    %scan3A_50 = arith.constant 32 : i32
    %swap3A_51 = arith.constant 0 : index
    %swap3A_52 = arith.constant 0 : index
    %swap3A_53 = arith.constant 0 : index
    %swap3A_54 = vector.load %arg4[%swap3A_51, %swap3A_52, %swap3A_53] : memref<1x128x32xi32, #tpu.memory_space<vmem>>, vector<1x128x32xi32>
    %swap3A_55 = vector.shape_cast %swap3A_54 : vector<1x128x32xi32> to vector<128x32xi32>
    %swap3A_56 = vector.shape_cast %scan3A_49 : vector<128x32xi32> to vector<1x128x32xi32>
    tpu.vector_store %arg4[%swap3A_51, %swap3A_52, %swap3A_53], %swap3A_56 {strides = array<i32>} : memref<1x128x32xi32, #tpu.memory_space<vmem>>, vector<1x128x32xi32>,
    return
  }
  func.func @transform_0(%arg0: i32, %arg1: i32) -> (i32, i32, i32) {
    %c0_i32 = arith.constant 0 : i32
    %c0_i32_0 = arith.constant 0 : i32
    return %arg0, %arg1, %c0_i32 : i32, i32, i32
  }
  func.func @transform_1(%arg0: i32, %arg1: i32) -> (i32, i32, i32) {
    %c0_i32 = arith.constant 0 : i32
    %c0_i32_0 = arith.constant 0 : i32
    %c0_i32_1 = arith.constant 0 : i32
    return %arg0, %c0_i32, %c0_i32_0 : i32, i32, i32
  }
  func.func @transform_2(%arg0: i32, %arg1: i32) -> (i32, i32, i32) {
    %c0_i32 = arith.constant 0 : i32
    %c0_i32_0 = arith.constant 0 : i32
    return %arg0, %arg1, %c0_i32 : i32, i32, i32
  }
}

module attributes {stable_mosaic.version = 14 : i64} {
  func.func @_z0_body(%arg0: i32, %arg1: memref<4096x64xf32, #tpu.memory_space<vmem>>, %arg2: memref<128x64xf32, #tpu.memory_space<vmem>>, %arg3: memref<128x64xf32, #tpu.memory_space<vmem>>, %arg4: memref<1x64xf32, #tpu.memory_space<vmem>>, %arg5: memref<4096x64xf32, #tpu.memory_space<vmem>>, %arg6: memref<2x64xf32, #tpu.memory_space<vmem>>) attributes {dimension_semantics = [#tpu.dimension_semantics<arbitrary>], iteration_bounds = array<i64: 16>, scalar_prefetch = 0 : i64, scratch_operands = 0 : i64, tpu.core_type = #tpu.core_type<tc>, window_params = [{transform_indices = @transform_0, window_bounds = array<i64: 4096, 64>}, {transform_indices = @transform_1, window_bounds = array<i64: 128, 64>}, {pipeline_mode = #tpu.pipeline_mode<synchronous>, transform_indices = @transform_2, window_bounds = array<i64: 128, 64>}, {pipeline_mode = #tpu.pipeline_mode<synchronous>, transform_indices = @transform_3, window_bounds = array<i64: 1, 64>}, {transform_indices = @transform_4, window_bounds = array<i64: 4096, 64>}, {pipeline_mode = #tpu.pipeline_mode<synchronous>, transform_indices = @transform_5, window_bounds = array<i64: 2, 64>}]} {
    %get3A = arith.constant 0 : index
    %get3A_0 = arith.constant 0 : index
    %get3A_1 = vector.load %arg2[%get3A, %get3A_0] : memref<128x64xf32, #tpu.memory_space<vmem>>, vector<128x64xf32>
    %get3A_2 = arith.constant 0 : index
    %get3A_3 = arith.constant 0 : index
    %get3A_4 = vector.load %arg1[%get3A_2, %get3A_3] : memref<4096x64xf32, #tpu.memory_space<vmem>>, vector<4096x64xf32>
    %reshape3A = vector.shape_cast %get3A_4 : vector<4096x64xf32> to vector<128x32x64xf32>
    %broadcast_in_dim3A = vector.shape_cast %get3A_1 : vector<128x64xf32> to vector<128x1x64xf32>
    %sub3A = vector.broadcast %broadcast_in_dim3A : vector<128x1x64xf32> to vector<128x32x64xf32>
    %sub3A_5 = arith.subf %reshape3A, %sub3A : vector<128x32x64xf32>
    %broadcast_in_dim3A_6 = vector.shape_cast %get3A_1 : vector<128x64xf32> to vector<128x1x64xf32>
    %broadcast_in_dim3A_7 = vector.shape_cast %broadcast_in_dim3A_6 : vector<128x1x64xf32> to vector<128x1x64xf32>
    %broadcast_in_dim3A_8 = vector.broadcast %broadcast_in_dim3A_7 : vector<128x1x64xf32> to vector<128x32x64xf32>
    %concatenate3A = tpu.concatenate %broadcast_in_dim3A_8, %sub3A_5 in 2 : vector<128x32x64xf32>, vector<128x32x64xf32> -> vector<128x32x128xf32>
    %reshape3A_9 = vector.shape_cast %concatenate3A : vector<128x32x128xf32> to vector<4096x128xf32>
    %convert_element_type3A = arith.truncf %reshape3A_9 : vector<4096x128xf32> to vector<4096x128xbf16>
    %get3A_10 = arith.constant 0 : index
    %get3A_11 = arith.constant 0 : index
    %get3A_12 = vector.load %arg3[%get3A_10, %get3A_11] : memref<128x64xf32, #tpu.memory_space<vmem>>, vector<128x64xf32>
    %convert_element_type3A_13 = arith.truncf %get3A_12 : vector<128x64xf32> to vector<128x64xbf16>
    %dot_general3A = arith.constant dense<0.000000e+00> : vector<4096x64xf32>
    %dot_general3A_14 = tpu.matmul %convert_element_type3A, %convert_element_type3A_13, %dot_general3A {dimension_numbers = #tpu.dot_dimension_numbers<[1], [0], [0], [1], [0, 0, 1, 1], [], []>, transpose_lhs_hint = false} : vector<4096x128xbf16>, vector<128x64xbf16>, vector<4096x64xf32> -> vector<4096x64xf32>
    %get3A_15 = arith.constant 0 : index
    %get3A_16 = arith.constant 0 : index
    %get3A_17 = vector.load %arg4[%get3A_15, %get3A_16] : memref<1x64xf32, #tpu.memory_space<vmem>>, vector<1x64xf32>
    %add3A = vector.broadcast %get3A_17 : vector<1x64xf32> to vector<4096x64xf32>
    %add3A_18 = arith.addf %dot_general3A_14, %add3A : vector<4096x64xf32>
    %swap3A = arith.constant 0 : index
    %swap3A_19 = arith.constant 0 : index
    %swap3A_20 = vector.load %arg5[%swap3A, %swap3A_19] : memref<4096x64xf32, #tpu.memory_space<vmem>>, vector<4096x64xf32>
    tpu.vector_store %arg5[%swap3A, %swap3A_19], %add3A_18 {strides = array<i32>} : memref<4096x64xf32, #tpu.memory_space<vmem>>, vector<4096x64xf32>,
    %reduce_sum3A = arith.constant dense<0.000000e+00> : vector<64xf32>
    %reduce_sum3A_21 = vector.multi_reduction <add>, %add3A_18, %reduce_sum3A [0] : vector<4096x64xf32> to vector<64xf32>
    %broadcast_in_dim3A_22 = vector.shape_cast %reduce_sum3A_21 : vector<64xf32> to vector<1x64xf32>
    %mul3A = arith.mulf %add3A_18, %add3A_18 : vector<4096x64xf32>
    %reduce_sum3A_23 = arith.constant dense<0.000000e+00> : vector<64xf32>
    %reduce_sum3A_24 = vector.multi_reduction <add>, %mul3A, %reduce_sum3A_23 [0] : vector<4096x64xf32> to vector<64xf32>
    %broadcast_in_dim3A_25 = vector.shape_cast %reduce_sum3A_24 : vector<64xf32> to vector<1x64xf32>
    %concatenate3A_26 = tpu.concatenate %broadcast_in_dim3A_22, %broadcast_in_dim3A_25 in 0 : vector<1x64xf32>, vector<1x64xf32> -> vector<2x64xf32>
    %eq3A = arith.constant 0 : i32
    %eq3A_27 = arith.cmpi eq, %arg0, %eq3A : i32
    %convert_element_type3A_28 = arith.extui %eq3A_27 : i1 to i32
    %cond3A = arith.constant 0 : i32
    %cond3A_29 = arith.cmpi ne, %convert_element_type3A_28, %cond3A : i32
    scf.if %cond3A_29 {
      %broadcast_in_dim3A_37 = arith.constant 0.000000e+00 : f32
      %broadcast_in_dim3A_38 = vector.broadcast %broadcast_in_dim3A_37 : f32 to vector<2x64xf32>
      %swap3A_39 = arith.constant 0 : index
      %swap3A_40 = arith.constant 0 : index
      %swap3A_41 = vector.load %arg6[%swap3A_39, %swap3A_40] : memref<2x64xf32, #tpu.memory_space<vmem>>, vector<2x64xf32>
      tpu.vector_store %arg6[%swap3A_39, %swap3A_40], %broadcast_in_dim3A_38 {strides = array<i32>} : memref<2x64xf32, #tpu.memory_space<vmem>>, vector<2x64xf32>,
    } else {
    }
    %get3A_30 = arith.constant 0 : index
    %get3A_31 = arith.constant 0 : index
    %get3A_32 = vector.load %arg6[%get3A_30, %get3A_31] : memref<2x64xf32, #tpu.memory_space<vmem>>, vector<2x64xf32>
    %add3A_33 = arith.addf %get3A_32, %concatenate3A_26 : vector<2x64xf32>
    %swap3A_34 = arith.constant 0 : index
    %swap3A_35 = arith.constant 0 : index
    %swap3A_36 = vector.load %arg6[%swap3A_34, %swap3A_35] : memref<2x64xf32, #tpu.memory_space<vmem>>, vector<2x64xf32>
    tpu.vector_store %arg6[%swap3A_34, %swap3A_35], %add3A_33 {strides = array<i32>} : memref<2x64xf32, #tpu.memory_space<vmem>>, vector<2x64xf32>,
    return
  }
  func.func @transform_0(%arg0: i32) -> (i32, i32) {
    %c0_i32 = arith.constant 0 : i32
    %c0_i32_0 = arith.constant 0 : i32
    return %arg0, %c0_i32 : i32, i32
  }
  func.func @transform_1(%arg0: i32) -> (i32, i32) {
    %c0_i32 = arith.constant 0 : i32
    %c0_i32_0 = arith.constant 0 : i32
    return %arg0, %c0_i32 : i32, i32
  }
  func.func @transform_2(%arg0: i32) -> (i32, i32) {
    %c0_i32 = arith.constant 0 : i32
    %c0_i32_0 = arith.constant 0 : i32
    %c0_i32_1 = arith.constant 0 : i32
    return %c0_i32, %c0_i32_0 : i32, i32
  }
  func.func @transform_3(%arg0: i32) -> (i32, i32) {
    %c0_i32 = arith.constant 0 : i32
    %c0_i32_0 = arith.constant 0 : i32
    %c0_i32_1 = arith.constant 0 : i32
    return %c0_i32, %c0_i32_0 : i32, i32
  }
  func.func @transform_4(%arg0: i32) -> (i32, i32) {
    %c0_i32 = arith.constant 0 : i32
    %c0_i32_0 = arith.constant 0 : i32
    return %arg0, %c0_i32 : i32, i32
  }
  func.func @transform_5(%arg0: i32) -> (i32, i32) {
    %c0_i32 = arith.constant 0 : i32
    %c0_i32_0 = arith.constant 0 : i32
    %c0_i32_1 = arith.constant 0 : i32
    return %c0_i32, %c0_i32_0 : i32, i32
  }
}

module attributes {stable_mosaic.version = 14 : i64} {
  func.func @_z1_body(%arg0: i32, %arg1: memref<4096x64xf32, #tpu.memory_space<vmem>>, %arg2: memref<2x64xf32, #tpu.memory_space<vmem>>, %arg3: memref<1x64xf32, #tpu.memory_space<vmem>>, %arg4: memref<1x64xf32, #tpu.memory_space<vmem>>, %arg5: memref<64x64xf32, #tpu.memory_space<vmem>>, %arg6: memref<1x64xf32, #tpu.memory_space<vmem>>, %arg7: memref<4096x64xf32, #tpu.memory_space<vmem>>, %arg8: memref<2x64xf32, #tpu.memory_space<vmem>>) attributes {dimension_semantics = [#tpu.dimension_semantics<arbitrary>], iteration_bounds = array<i64: 16>, scalar_prefetch = 0 : i64, scratch_operands = 0 : i64, tpu.core_type = #tpu.core_type<tc>, window_params = [{transform_indices = @transform_0, window_bounds = array<i64: 4096, 64>}, {pipeline_mode = #tpu.pipeline_mode<synchronous>, transform_indices = @transform_1, window_bounds = array<i64: 2, 64>}, {pipeline_mode = #tpu.pipeline_mode<synchronous>, transform_indices = @transform_2, window_bounds = array<i64: 1, 64>}, {pipeline_mode = #tpu.pipeline_mode<synchronous>, transform_indices = @transform_3, window_bounds = array<i64: 1, 64>}, {pipeline_mode = #tpu.pipeline_mode<synchronous>, transform_indices = @transform_4, window_bounds = array<i64: 64, 64>}, {pipeline_mode = #tpu.pipeline_mode<synchronous>, transform_indices = @transform_5, window_bounds = array<i64: 1, 64>}, {transform_indices = @transform_6, window_bounds = array<i64: 4096, 64>}, {pipeline_mode = #tpu.pipeline_mode<synchronous>, transform_indices = @transform_7, window_bounds = array<i64: 2, 64>}]} {
    %get3A = arith.constant 0 : index
    %get3A_0 = arith.constant 0 : index
    %get3A_1 = vector.load %arg2[%get3A, %get3A_0] : memref<2x64xf32, #tpu.memory_space<vmem>>, vector<2x64xf32>
    %slice3A = vector.extract_strided_slice %get3A_1 {offsets = [0, 0], sizes = [1, 64], strides = [1, 1]} : vector<2x64xf32> to vector<1x64xf32>
    %div3A = arith.constant 6.553600e+04 : f32
    %div3A_2 = vector.broadcast %div3A : f32 to vector<1x64xf32>
    %div3A_3 = arith.divf %slice3A, %div3A_2 : vector<1x64xf32>
    %slice3A_4 = vector.extract_strided_slice %get3A_1 {offsets = [1, 0], sizes = [1, 64], strides = [1, 1]} : vector<2x64xf32> to vector<1x64xf32>
    %div3A_5 = arith.constant 6.553600e+04 : f32
    %div3A_6 = vector.broadcast %div3A_5 : f32 to vector<1x64xf32>
    %div3A_7 = arith.divf %slice3A_4, %div3A_6 : vector<1x64xf32>
    %mul3A = arith.mulf %div3A_3, %div3A_3 : vector<1x64xf32>
    %sub3A = arith.subf %div3A_7, %mul3A : vector<1x64xf32>
    %get3A_8 = arith.constant 0 : index
    %get3A_9 = arith.constant 0 : index
    %get3A_10 = vector.load %arg3[%get3A_8, %get3A_9] : memref<1x64xf32, #tpu.memory_space<vmem>>, vector<1x64xf32>
    %add3A = arith.constant 9.99999974E-6 : f32
    %add3A_11 = vector.broadcast %add3A : f32 to vector<1x64xf32>
    %add3A_12 = arith.addf %sub3A, %add3A_11 : vector<1x64xf32>
    %rsqrt3A = math.rsqrt %add3A_12 : vector<1x64xf32>
    %mul3A_13 = arith.mulf %get3A_10, %rsqrt3A : vector<1x64xf32>
    %get3A_14 = arith.constant 0 : index
    %get3A_15 = arith.constant 0 : index
    %get3A_16 = vector.load %arg4[%get3A_14, %get3A_15] : memref<1x64xf32, #tpu.memory_space<vmem>>, vector<1x64xf32>
    %mul3A_17 = arith.mulf %div3A_3, %mul3A_13 : vector<1x64xf32>
    %sub3A_18 = arith.subf %get3A_16, %mul3A_17 : vector<1x64xf32>
    %get3A_19 = arith.constant 0 : index
    %get3A_20 = arith.constant 0 : index
    %get3A_21 = vector.load %arg1[%get3A_19, %get3A_20] : memref<4096x64xf32, #tpu.memory_space<vmem>>, vector<4096x64xf32>
    %mul3A_22 = vector.broadcast %mul3A_13 : vector<1x64xf32> to vector<4096x64xf32>
    %mul3A_23 = arith.mulf %mul3A_22, %get3A_21 : vector<4096x64xf32>
    %add3A_24 = vector.broadcast %sub3A_18 : vector<1x64xf32> to vector<4096x64xf32>
    %add3A_25 = arith.addf %mul3A_23, %add3A_24 : vector<4096x64xf32>
    %max3A = arith.constant 0.000000e+00 : f32
    %max3A_26 = vector.broadcast %max3A : f32 to vector<4096x64xf32>
    %max3A_27 = arith.maximumf %add3A_25, %max3A_26 : vector<4096x64xf32>
    %convert_element_type3A = arith.truncf %max3A_27 : vector<4096x64xf32> to vector<4096x64xbf16>
    %get3A_28 = arith.constant 0 : index
    %get3A_29 = arith.constant 0 : index
    %get3A_30 = vector.load %arg5[%get3A_28, %get3A_29] : memref<64x64xf32, #tpu.memory_space<vmem>>, vector<64x64xf32>
    %convert_element_type3A_31 = arith.truncf %get3A_30 : vector<64x64xf32> to vector<64x64xbf16>
    %dot_general3A = arith.constant dense<0.000000e+00> : vector<4096x64xf32>
    %dot_general3A_32 = tpu.matmul %convert_element_type3A, %convert_element_type3A_31, %dot_general3A {dimension_numbers = #tpu.dot_dimension_numbers<[1], [0], [0], [1], [0, 0, 1, 1], [], []>, transpose_lhs_hint = false} : vector<4096x64xbf16>, vector<64x64xbf16>, vector<4096x64xf32> -> vector<4096x64xf32>
    %get3A_33 = arith.constant 0 : index
    %get3A_34 = arith.constant 0 : index
    %get3A_35 = vector.load %arg6[%get3A_33, %get3A_34] : memref<1x64xf32, #tpu.memory_space<vmem>>, vector<1x64xf32>
    %add3A_36 = vector.broadcast %get3A_35 : vector<1x64xf32> to vector<4096x64xf32>
    %add3A_37 = arith.addf %dot_general3A_32, %add3A_36 : vector<4096x64xf32>
    %swap3A = arith.constant 0 : index
    %swap3A_38 = arith.constant 0 : index
    %swap3A_39 = vector.load %arg7[%swap3A, %swap3A_38] : memref<4096x64xf32, #tpu.memory_space<vmem>>, vector<4096x64xf32>
    tpu.vector_store %arg7[%swap3A, %swap3A_38], %add3A_37 {strides = array<i32>} : memref<4096x64xf32, #tpu.memory_space<vmem>>, vector<4096x64xf32>,
    %reduce_sum3A = arith.constant dense<0.000000e+00> : vector<64xf32>
    %reduce_sum3A_40 = vector.multi_reduction <add>, %add3A_37, %reduce_sum3A [0] : vector<4096x64xf32> to vector<64xf32>
    %broadcast_in_dim3A = vector.shape_cast %reduce_sum3A_40 : vector<64xf32> to vector<1x64xf32>
    %mul3A_41 = arith.mulf %add3A_37, %add3A_37 : vector<4096x64xf32>
    %reduce_sum3A_42 = arith.constant dense<0.000000e+00> : vector<64xf32>
    %reduce_sum3A_43 = vector.multi_reduction <add>, %mul3A_41, %reduce_sum3A_42 [0] : vector<4096x64xf32> to vector<64xf32>
    %broadcast_in_dim3A_44 = vector.shape_cast %reduce_sum3A_43 : vector<64xf32> to vector<1x64xf32>
    %concatenate3A = tpu.concatenate %broadcast_in_dim3A, %broadcast_in_dim3A_44 in 0 : vector<1x64xf32>, vector<1x64xf32> -> vector<2x64xf32>
    %eq3A = arith.constant 0 : i32
    %eq3A_45 = arith.cmpi eq, %arg0, %eq3A : i32
    %convert_element_type3A_46 = arith.extui %eq3A_45 : i1 to i32
    %cond3A = arith.constant 0 : i32
    %cond3A_47 = arith.cmpi ne, %convert_element_type3A_46, %cond3A : i32
    scf.if %cond3A_47 {
      %broadcast_in_dim3A_55 = arith.constant 0.000000e+00 : f32
      %broadcast_in_dim3A_56 = vector.broadcast %broadcast_in_dim3A_55 : f32 to vector<2x64xf32>
      %swap3A_57 = arith.constant 0 : index
      %swap3A_58 = arith.constant 0 : index
      %swap3A_59 = vector.load %arg8[%swap3A_57, %swap3A_58] : memref<2x64xf32, #tpu.memory_space<vmem>>, vector<2x64xf32>
      tpu.vector_store %arg8[%swap3A_57, %swap3A_58], %broadcast_in_dim3A_56 {strides = array<i32>} : memref<2x64xf32, #tpu.memory_space<vmem>>, vector<2x64xf32>,
    } else {
    }
    %get3A_48 = arith.constant 0 : index
    %get3A_49 = arith.constant 0 : index
    %get3A_50 = vector.load %arg8[%get3A_48, %get3A_49] : memref<2x64xf32, #tpu.memory_space<vmem>>, vector<2x64xf32>
    %add3A_51 = arith.addf %get3A_50, %concatenate3A : vector<2x64xf32>
    %swap3A_52 = arith.constant 0 : index
    %swap3A_53 = arith.constant 0 : index
    %swap3A_54 = vector.load %arg8[%swap3A_52, %swap3A_53] : memref<2x64xf32, #tpu.memory_space<vmem>>, vector<2x64xf32>
    tpu.vector_store %arg8[%swap3A_52, %swap3A_53], %add3A_51 {strides = array<i32>} : memref<2x64xf32, #tpu.memory_space<vmem>>, vector<2x64xf32>,
    return
  }
  func.func @transform_0(%arg0: i32) -> (i32, i32) {
    %c0_i32 = arith.constant 0 : i32
    %c0_i32_0 = arith.constant 0 : i32
    return %arg0, %c0_i32 : i32, i32
  }
  func.func @transform_1(%arg0: i32) -> (i32, i32) {
    %c0_i32 = arith.constant 0 : i32
    %c0_i32_0 = arith.constant 0 : i32
    %c0_i32_1 = arith.constant 0 : i32
    return %c0_i32, %c0_i32_0 : i32, i32
  }
  func.func @transform_2(%arg0: i32) -> (i32, i32) {
    %c0_i32 = arith.constant 0 : i32
    %c0_i32_0 = arith.constant 0 : i32
    %c0_i32_1 = arith.constant 0 : i32
    return %c0_i32, %c0_i32_0 : i32, i32
  }
  func.func @transform_3(%arg0: i32) -> (i32, i32) {
    %c0_i32 = arith.constant 0 : i32
    %c0_i32_0 = arith.constant 0 : i32
    %c0_i32_1 = arith.constant 0 : i32
    return %c0_i32, %c0_i32_0 : i32, i32
  }
  func.func @transform_4(%arg0: i32) -> (i32, i32) {
    %c0_i32 = arith.constant 0 : i32
    %c0_i32_0 = arith.constant 0 : i32
    %c0_i32_1 = arith.constant 0 : i32
    return %c0_i32, %c0_i32_0 : i32, i32
  }
  func.func @transform_5(%arg0: i32) -> (i32, i32) {
    %c0_i32 = arith.constant 0 : i32
    %c0_i32_0 = arith.constant 0 : i32
    %c0_i32_1 = arith.constant 0 : i32
    return %c0_i32, %c0_i32_0 : i32, i32
  }
  func.func @transform_6(%arg0: i32) -> (i32, i32) {
    %c0_i32 = arith.constant 0 : i32
    %c0_i32_0 = arith.constant 0 : i32
    return %arg0, %c0_i32 : i32, i32
  }
  func.func @transform_7(%arg0: i32) -> (i32, i32) {
    %c0_i32 = arith.constant 0 : i32
    %c0_i32_0 = arith.constant 0 : i32
    %c0_i32_1 = arith.constant 0 : i32
    return %c0_i32, %c0_i32_0 : i32, i32
  }
}

module attributes {stable_mosaic.version = 14 : i64} {
  func.func @_pool_body(%arg0: i32, %arg1: memref<4096x64xf32, #tpu.memory_space<vmem>>, %arg2: memref<2x64xf32, #tpu.memory_space<vmem>>, %arg3: memref<1x64xf32, #tpu.memory_space<vmem>>, %arg4: memref<1x64xf32, #tpu.memory_space<vmem>>, %arg5: memref<128x64xf32, #tpu.memory_space<vmem>>, %arg6: memref<128x64xf32, #tpu.memory_space<vmem>>) attributes {dimension_semantics = [#tpu.dimension_semantics<arbitrary>], iteration_bounds = array<i64: 16>, scalar_prefetch = 0 : i64, scratch_operands = 0 : i64, tpu.core_type = #tpu.core_type<tc>, window_params = [{transform_indices = @transform_0, window_bounds = array<i64: 4096, 64>}, {pipeline_mode = #tpu.pipeline_mode<synchronous>, transform_indices = @transform_1, window_bounds = array<i64: 2, 64>}, {pipeline_mode = #tpu.pipeline_mode<synchronous>, transform_indices = @transform_2, window_bounds = array<i64: 1, 64>}, {pipeline_mode = #tpu.pipeline_mode<synchronous>, transform_indices = @transform_3, window_bounds = array<i64: 1, 64>}, {transform_indices = @transform_4, window_bounds = array<i64: 128, 64>}, {transform_indices = @transform_5, window_bounds = array<i64: 128, 64>}]} {
    %get3A = arith.constant 0 : index
    %get3A_0 = arith.constant 0 : index
    %get3A_1 = vector.load %arg2[%get3A, %get3A_0] : memref<2x64xf32, #tpu.memory_space<vmem>>, vector<2x64xf32>
    %slice3A = vector.extract_strided_slice %get3A_1 {offsets = [0, 0], sizes = [1, 64], strides = [1, 1]} : vector<2x64xf32> to vector<1x64xf32>
    %div3A = arith.constant 6.553600e+04 : f32
    %div3A_2 = vector.broadcast %div3A : f32 to vector<1x64xf32>
    %div3A_3 = arith.divf %slice3A, %div3A_2 : vector<1x64xf32>
    %slice3A_4 = vector.extract_strided_slice %get3A_1 {offsets = [1, 0], sizes = [1, 64], strides = [1, 1]} : vector<2x64xf32> to vector<1x64xf32>
    %div3A_5 = arith.constant 6.553600e+04 : f32
    %div3A_6 = vector.broadcast %div3A_5 : f32 to vector<1x64xf32>
    %div3A_7 = arith.divf %slice3A_4, %div3A_6 : vector<1x64xf32>
    %mul3A = arith.mulf %div3A_3, %div3A_3 : vector<1x64xf32>
    %sub3A = arith.subf %div3A_7, %mul3A : vector<1x64xf32>
    %get3A_8 = arith.constant 0 : index
    %get3A_9 = arith.constant 0 : index
    %get3A_10 = vector.load %arg3[%get3A_8, %get3A_9] : memref<1x64xf32, #tpu.memory_space<vmem>>, vector<1x64xf32>
    %add3A = arith.constant 9.99999974E-6 : f32
    %add3A_11 = vector.broadcast %add3A : f32 to vector<1x64xf32>
    %add3A_12 = arith.addf %sub3A, %add3A_11 : vector<1x64xf32>
    %rsqrt3A = math.rsqrt %add3A_12 : vector<1x64xf32>
    %mul3A_13 = arith.mulf %get3A_10, %rsqrt3A : vector<1x64xf32>
    %get3A_14 = arith.constant 0 : index
    %get3A_15 = arith.constant 0 : index
    %get3A_16 = vector.load %arg4[%get3A_14, %get3A_15] : memref<1x64xf32, #tpu.memory_space<vmem>>, vector<1x64xf32>
    %mul3A_17 = arith.mulf %div3A_3, %mul3A_13 : vector<1x64xf32>
    %sub3A_18 = arith.subf %get3A_16, %mul3A_17 : vector<1x64xf32>
    %get3A_19 = arith.constant 0 : index
    %get3A_20 = arith.constant 0 : index
    %get3A_21 = vector.load %arg1[%get3A_19, %get3A_20] : memref<4096x64xf32, #tpu.memory_space<vmem>>, vector<4096x64xf32>
    %mul3A_22 = vector.broadcast %mul3A_13 : vector<1x64xf32> to vector<4096x64xf32>
    %mul3A_23 = arith.mulf %mul3A_22, %get3A_21 : vector<4096x64xf32>
    %add3A_24 = vector.broadcast %sub3A_18 : vector<1x64xf32> to vector<4096x64xf32>
    %add3A_25 = arith.addf %mul3A_23, %add3A_24 : vector<4096x64xf32>
    %max3A = arith.constant 0.000000e+00 : f32
    %max3A_26 = vector.broadcast %max3A : f32 to vector<4096x64xf32>
    %max3A_27 = arith.maximumf %add3A_25, %max3A_26 : vector<4096x64xf32>
    %reshape3A = vector.shape_cast %max3A_27 : vector<4096x64xf32> to vector<128x32x64xf32>
    %reduce_max3A = arith.constant dense<0xFF800000> : vector<128x64xf32>
    %reduce_max3A_28 = vector.multi_reduction <maximumf>, %reshape3A, %reduce_max3A [1] : vector<128x32x64xf32> to vector<128x64xf32>
    %swap3A = arith.constant 0 : index
    %swap3A_29 = arith.constant 0 : index
    %swap3A_30 = vector.load %arg5[%swap3A, %swap3A_29] : memref<128x64xf32, #tpu.memory_space<vmem>>, vector<128x64xf32>
    tpu.vector_store %arg5[%swap3A, %swap3A_29], %reduce_max3A_28 {strides = array<i32>} : memref<128x64xf32, #tpu.memory_space<vmem>>, vector<128x64xf32>,
    %reduce_sum3A = arith.constant dense<0.000000e+00> : vector<128x64xf32>
    %reduce_sum3A_31 = vector.multi_reduction <add>, %reshape3A, %reduce_sum3A [1] : vector<128x32x64xf32> to vector<128x64xf32>
    %mul3A_32 = arith.constant 3.125000e-02 : f32
    %mul3A_33 = vector.broadcast %mul3A_32 : f32 to vector<128x64xf32>
    %mul3A_34 = arith.mulf %reduce_sum3A_31, %mul3A_33 : vector<128x64xf32>
    %swap3A_35 = arith.constant 0 : index
    %swap3A_36 = arith.constant 0 : index
    %swap3A_37 = vector.load %arg6[%swap3A_35, %swap3A_36] : memref<128x64xf32, #tpu.memory_space<vmem>>, vector<128x64xf32>
    tpu.vector_store %arg6[%swap3A_35, %swap3A_36], %mul3A_34 {strides = array<i32>} : memref<128x64xf32, #tpu.memory_space<vmem>>, vector<128x64xf32>,
    return
  }
  func.func @transform_0(%arg0: i32) -> (i32, i32) {
    %c0_i32 = arith.constant 0 : i32
    %c0_i32_0 = arith.constant 0 : i32
    return %arg0, %c0_i32 : i32, i32
  }
  func.func @transform_1(%arg0: i32) -> (i32, i32) {
    %c0_i32 = arith.constant 0 : i32
    %c0_i32_0 = arith.constant 0 : i32
    %c0_i32_1 = arith.constant 0 : i32
    return %c0_i32, %c0_i32_0 : i32, i32
  }
  func.func @transform_2(%arg0: i32) -> (i32, i32) {
    %c0_i32 = arith.constant 0 : i32
    %c0_i32_0 = arith.constant 0 : i32
    %c0_i32_1 = arith.constant 0 : i32
    return %c0_i32, %c0_i32_0 : i32, i32
  }
  func.func @transform_3(%arg0: i32) -> (i32, i32) {
    %c0_i32 = arith.constant 0 : i32
    %c0_i32_0 = arith.constant 0 : i32
    %c0_i32_1 = arith.constant 0 : i32
    return %c0_i32, %c0_i32_0 : i32, i32
  }
  func.func @transform_4(%arg0: i32) -> (i32, i32) {
    %c0_i32 = arith.constant 0 : i32
    %c0_i32_0 = arith.constant 0 : i32
    return %arg0, %c0_i32 : i32, i32
  }
  func.func @transform_5(%arg0: i32) -> (i32, i32) {
    %c0_i32 = arith.constant 0 : i32
    %c0_i32_0 = arith.constant 0 : i32
    return %arg0, %c0_i32 : i32, i32
  }
}

module attributes {stable_mosaic.version = 14 : i64} {
  func.func @_res_body(%arg0: memref<2048x64xf32, #tpu.memory_space<vmem>>, %arg1: memref<64x64xf32, #tpu.memory_space<vmem>>, %arg2: memref<1x64xf32, #tpu.memory_space<vmem>>, %arg3: memref<1x64xf32, #tpu.memory_space<vmem>>, %arg4: memref<1x64xf32, #tpu.memory_space<vmem>>, %arg5: memref<2048x64xf32, #tpu.memory_space<vmem>>) attributes {dimension_semantics = [], scalar_prefetch = 0 : i64, scratch_operands = 0 : i64, tpu.core_type = #tpu.core_type<tc>} {
    %get3A = arith.constant 0 : index
    %get3A_0 = arith.constant 0 : index
    %get3A_1 = vector.load %arg0[%get3A, %get3A_0] : memref<2048x64xf32, #tpu.memory_space<vmem>>, vector<2048x64xf32>
    %convert_element_type3A = arith.truncf %get3A_1 : vector<2048x64xf32> to vector<2048x64xbf16>
    %get3A_2 = arith.constant 0 : index
    %get3A_3 = arith.constant 0 : index
    %get3A_4 = vector.load %arg1[%get3A_2, %get3A_3] : memref<64x64xf32, #tpu.memory_space<vmem>>, vector<64x64xf32>
    %convert_element_type3A_5 = arith.truncf %get3A_4 : vector<64x64xf32> to vector<64x64xbf16>
    %dot_general3A = arith.constant dense<0.000000e+00> : vector<2048x64xf32>
    %dot_general3A_6 = tpu.matmul %convert_element_type3A, %convert_element_type3A_5, %dot_general3A {dimension_numbers = #tpu.dot_dimension_numbers<[1], [0], [0], [1], [0, 0, 1, 1], [], []>, transpose_lhs_hint = false} : vector<2048x64xbf16>, vector<64x64xbf16>, vector<2048x64xf32> -> vector<2048x64xf32>
    %get3A_7 = arith.constant 0 : index
    %get3A_8 = arith.constant 0 : index
    %get3A_9 = vector.load %arg2[%get3A_7, %get3A_8] : memref<1x64xf32, #tpu.memory_space<vmem>>, vector<1x64xf32>
    %add3A = vector.broadcast %get3A_9 : vector<1x64xf32> to vector<2048x64xf32>
    %add3A_10 = arith.addf %dot_general3A_6, %add3A : vector<2048x64xf32>
    %reduce_sum3A = arith.constant dense<0.000000e+00> : vector<64xf32>
    %reduce_sum3A_11 = vector.multi_reduction <add>, %add3A_10, %reduce_sum3A [0] : vector<2048x64xf32> to vector<64xf32>
    %broadcast_in_dim3A = vector.shape_cast %reduce_sum3A_11 : vector<64xf32> to vector<1x64xf32>
    %div3A = arith.constant 2.048000e+03 : f32
    %div3A_12 = vector.broadcast %div3A : f32 to vector<1x64xf32>
    %div3A_13 = arith.divf %broadcast_in_dim3A, %div3A_12 : vector<1x64xf32>
    %sub3A = vector.broadcast %div3A_13 : vector<1x64xf32> to vector<2048x64xf32>
    %sub3A_14 = arith.subf %add3A_10, %sub3A : vector<2048x64xf32>
    %mul3A = arith.mulf %sub3A_14, %sub3A_14 : vector<2048x64xf32>
    %reduce_sum3A_15 = arith.constant dense<0.000000e+00> : vector<64xf32>
    %reduce_sum3A_16 = vector.multi_reduction <add>, %mul3A, %reduce_sum3A_15 [0] : vector<2048x64xf32> to vector<64xf32>
    %broadcast_in_dim3A_17 = vector.shape_cast %reduce_sum3A_16 : vector<64xf32> to vector<1x64xf32>
    %div3A_18 = arith.constant 2.048000e+03 : f32
    %div3A_19 = vector.broadcast %div3A_18 : f32 to vector<1x64xf32>
    %div3A_20 = arith.divf %broadcast_in_dim3A_17, %div3A_19 : vector<1x64xf32>
    %add3A_21 = arith.constant 9.99999974E-6 : f32
    %add3A_22 = vector.broadcast %add3A_21 : f32 to vector<1x64xf32>
    %add3A_23 = arith.addf %div3A_20, %add3A_22 : vector<1x64xf32>
    %rsqrt3A = math.rsqrt %add3A_23 : vector<1x64xf32>
    %mul3A_24 = vector.broadcast %rsqrt3A : vector<1x64xf32> to vector<2048x64xf32>
    %mul3A_25 = arith.mulf %sub3A_14, %mul3A_24 : vector<2048x64xf32>
    %get3A_26 = arith.constant 0 : index
    %get3A_27 = arith.constant 0 : index
    %get3A_28 = vector.load %arg3[%get3A_26, %get3A_27] : memref<1x64xf32, #tpu.memory_space<vmem>>, vector<1x64xf32>
    %mul3A_29 = vector.broadcast %get3A_28 : vector<1x64xf32> to vector<2048x64xf32>
    %mul3A_30 = arith.mulf %mul3A_25, %mul3A_29 : vector<2048x64xf32>
    %get3A_31 = arith.constant 0 : index
    %get3A_32 = arith.constant 0 : index
    %get3A_33 = vector.load %arg4[%get3A_31, %get3A_32] : memref<1x64xf32, #tpu.memory_space<vmem>>, vector<1x64xf32>
    %add3A_34 = vector.broadcast %get3A_33 : vector<1x64xf32> to vector<2048x64xf32>
    %add3A_35 = arith.addf %mul3A_30, %add3A_34 : vector<2048x64xf32>
    %add3A_36 = arith.addf %add3A_35, %get3A_1 : vector<2048x64xf32>
    %max3A = arith.constant 0.000000e+00 : f32
    %max3A_37 = vector.broadcast %max3A : f32 to vector<2048x64xf32>
    %max3A_38 = arith.maximumf %add3A_36, %max3A_37 : vector<2048x64xf32>
    %swap3A = arith.constant 0 : index
    %swap3A_39 = arith.constant 0 : index
    %swap3A_40 = vector.load %arg5[%swap3A, %swap3A_39] : memref<2048x64xf32, #tpu.memory_space<vmem>>, vector<2048x64xf32>
    tpu.vector_store %arg5[%swap3A, %swap3A_39], %max3A_38 {strides = array<i32>} : memref<2048x64xf32, #tpu.memory_space<vmem>>, vector<2048x64xf32>,
    return
  }
}

</mosaic_0001>

<sc_bundles>
// kernel: kernel.10.cloned.1.call-start
scs
__scs_entry_jumppad:
0x0: {  	(pc) =	sbr.rel $0x88, $3  }
0x1: {  	(tag) =	ssettag $0x0;
	lr =	simm.s32 $0x1  }
0x2: {  	[smem:$0x3F93] =	sst lr;
	_ =	strace $0xD0000000  }
0x3: {  	_ = 	snop  }
0x4: {  	_ = 	snop  }
0x5: {  	_ = 	snop  }
0x6: {  	_ = 	snop  }
0x7: {  	_ = 	snop  }
__scs_overlays_trampoline_lowered:
0x8: {  	[smem:$0x3FA2] =	sst s0  }
0x9: {  	[smem:$0x3FA3] =	sst s1  }
0xa: {  	[smem:$0x3FA4] =	sst s2  }
0xb: {  	[smem:$0x3FA5] =	sst s3  }
0xc: {  	[smem:$0x3FA6] =	sst s4  }
0xd: {  	[smem:$0x3FA7] =	sst s5  }
0xe: {  	[smem:$0x3FA8] =	sst s6  }
0xf: {  	[smem:$0x3FA9] =	sst s7  }
0x10: {  	[smem:$0x3FAA] =	sst s8  }
0x11: {  	[smem:$0x3FAB] =	sst s9;
	s0 =	simm.s32 @!p0 $0x0  }
0x12: {  	s1 =	sld [smem:$0x3F91];
	s0 =	simm.s32 @p0 $0x1  }
0x13: {  	[smem:$0x3FAC] =	sst s0;
	s0 =	simm.s32 @!p1 $0x0  }
0x14: {  	s2 =	sld [smem:$0x3F90];
	s0 =	simm.s32 @p1 $0x1  }
0x15: {  	[smem:$0x3FAD] =	sst s0;
	s0 =	simm.s32 @!p2 $0x0  }
0x16: {  	s3 =	sld [smem:$0x3FDB];
	s0 =	simm.s32 @p2 $0x1  }
0x17: {  	s4 =	simm.s32 $0x1BF5;
	[smem:$0x3FAF] =	sst s0  }
0x18: {  	s0 =	sld [smem:$0x3F92];
	_ =	swait.ge [sflag:s4], $0x0  }
0x19: {  	s7 =	sld [smem:$0x3F93]  }
0x1a: {  	s8 =	sadd.s32 $0xFFFFE003, lr  }
0x1b: {  	s9 =	sadd.s32 $0xFFFFFEF7, lr;
	s5 =	simm.s32 $0xFFFFFFFF;
	p2 =	slt.u32 s8, $0xFFFFF086  }
0x1c: {  	p1 =	slt.u32 s9, $0xF7A;
	s5 =	simm.s32 @!p2 $0x0  }
0x1d: {  	s5 =	simm.s32 @p1 $0x1;
	p0 =	seq.s32 s7, s2  }
0x1e: {  	s7 =	smul.u32 @!p0 $0xF7A, s2;
	p2 =	seq.s32 @!p0 s5, $0x0  }
0x1f: {  	s9 =	smul.u32 $0xF7A, s1;
	s8 =	simm.s32 @!p0 $0x1BF5;
	p2 =	por !p2, p0  }
0x20: {  	[sflag:s8] =	ssyncset.s32 @!p0 $0xFFFFF086;
	s6 =	sadd.s32 @!p0 s3, s7;
	s7 =	simm.s32 @!p0 $0x108  }
0x21: {  	s3 =	sadd.s32 s3, s9;
	s6 =	sadd.s32 @!p0 $0x88, s6;
	s7 =	simm.s32 @p2 $0x1082  }
0x22: {  	[simem:s7], [sflag:s8] =	dma.local @!p0 [hbm:s6], $0xF7A  }
0x23: {  	s9 =	sor.u32 $0xD0000000, s2;
	s6 =	simm.s32 $0x108;
	_ =	swait.ge @!p0 [sflag:s8], $0x0  }
0x24: {  	s3 =	sadd.s32 $0x88, s3;
	s6 =	simm.s32 @!p1 $0x1082;
	[sflag:s4] =	ssyncset.s32 $0xFFFFF086  }
0x25: {  	[simem:s6], [sflag:s4] =	dma.local [hbm:s3], $0xF7A  }
0x26: {  	[smem:$0x3F93] =	sst s1;
	(tag) =	ssettag s2;
	_ =	strace s9  }
0x27: {  	s1 =	sld [smem:$0x3FA3]  }
0x28: {  	s2 =	sld [smem:$0x3FA4]  }
0x29: {  	s4 =	sld [smem:$0x3FA6]  }
0x2a: {  	p0 =	seq.s32 s5, $0x0;
	s5 =	sld [smem:$0x3FA7]  }
0x2b: {  	s6 =	sld [smem:$0x3FA8]  }
0x2c: {  	s7 =	sld [smem:$0x3FA9]  }
0x2d: {  	s3 =	simm.s32 $0x108;
	s8 =	sld [smem:$0x3FAA]  }
0x2e: {  	s3 =	simm.s32 @!p0 $0x1082;
	s9 =	sld [smem:$0x3FAB]  }
0x2f: {  	lr =	sadd.s32 s0, s3;
	s0 =	sld [smem:$0x3FA2]  }
0x30: {  	s3 =	sld [smem:$0x3FA5]  }
0x31: {  	[smem:$0x3FAE] =	sst s10  }
0x32: {  	s10 =	sld [smem:$0x3FAC];
	_ =	sdelay $0x3  }
0x33: {  	p0 =	seq.s32 s10, $0x1;
	s10 =	sld [smem:$0x3FAE];
	_ =	sdelay $0x3  }
0x34: {  	[smem:$0x3FAE] =	sst s10  }
0x35: {  	s10 =	sld [smem:$0x3FAD];
	_ =	sdelay $0x3  }
0x36: {  	p1 =	seq.s32 s10, $0x1;
	s10 =	sld [smem:$0x3FAE];
	_ =	sdelay $0x3  }
0x37: {  	[smem:$0x3FAE] =	sst s10  }
0x38: {  	s10 =	sld [smem:$0x3FAF]  }
0x39: {  	_ = 	snop;
	(pc) =	sbr.ind lr, $3  }
0x3a: {  	_ = 	snop  }
0x3b: {  	_ = 	snop  }
0x3c: {  	p2 =	seq.s32 s10, $0x1;
	s10 =	sld [smem:$0x3FAE]  }
0x3d: {  	_ =	shalt  }
0x3e: {  	_ =	shalt  }
0x3f: {  	_ =	shalt  }
0x40: {  	_ =	shalt  }
0x41: {  	_ =	shalt  }
0x42: {  	_ =	shalt  }
0x43: {  	_ =	shalt  }
0x44: {  	_ =	shalt  }
0x45: {  	_ =	shalt  }
0x46: {  	_ =	shalt  }
0x47: {  	_ =	shalt  }
0x48: {  	_ =	shalt  }
0x49: {  	_ =	shalt  }
0x4a: {  	_ =	shalt  }
0x4b: {  	_ =	shalt  }
0x4c: {  	_ =	shalt  }
0x4d: {  	_ =	shalt  }
0x4e: {  	_ =	shalt  }
0x4f: {  	_ =	shalt  }
0x50: {  	_ =	shalt  }
0x51: {  	_ =	shalt  }
0x52: {  	_ =	shalt  }
0x53: {  	_ =	shalt  }
0x54: {  	_ =	shalt  }
0x55: {  	_ =	shalt  }
0x56: {  	_ =	shalt  }
0x57: {  	_ =	shalt  }
0x58: {  	_ =	shalt  }
0x59: {  	_ =	shalt  }
0x5a: {  	_ =	shalt  }
0x5b: {  	_ =	shalt  }
0x5c: {  	_ =	shalt  }
0x5d: {  	_ =	shalt  }
0x5e: {  	_ =	shalt  }
0x5f: {  	_ =	shalt  }
0x60: {  	_ =	shalt  }
0x61: {  	_ =	shalt  }
0x62: {  	_ =	shalt  }
0x63: {  	_ =	shalt  }
0x64: {  	_ =	shalt  }
0x65: {  	_ =	shalt  }
0x66: {  	_ =	shalt  }
0x67: {  	_ =	shalt  }
0x68: {  	_ =	shalt  }
0x69: {  	_ =	shalt  }
0x6a: {  	_ =	shalt  }
0x6b: {  	_ =	shalt  }
0x6c: {  	_ =	shalt  }
0x6d: {  	_ =	shalt  }
0x6e: {  	_ =	shalt  }
0x6f: {  	_ =	shalt  }
0x70: {  	_ =	shalt  }
0x71: {  	_ =	shalt  }
0x72: {  	_ =	shalt  }
0x73: {  	_ =	shalt  }
0x74: {  	_ =	shalt  }
0x75: {  	_ =	shalt  }
0x76: {  	_ =	shalt  }
0x77: {  	_ =	shalt  }
0x78: {  	_ =	shalt  }
0x79: {  	_ =	shalt  }
0x7a: {  	_ =	shalt  }
0x7b: {  	_ =	shalt  }
0x7c: {  	_ =	shalt  }
0x7d: {  	_ =	shalt  }
0x7e: {  	_ =	shalt  }
0x7f: {  	_ =	shalt  }
0x80: {  	_ =	shalt  }
0x81: {  	_ =	shalt  }
0x82: {  	_ =	shalt  }
0x83: {  	_ =	shalt  }
0x84: {  	_ =	shalt  }
0x85: {  	_ =	shalt  }
0x86: {  	_ =	shalt  }
0x87: {  	_ =	shalt  }
.Lfunc_end0:
.L_simem_size_0:
called_computation_lowered:
.L_overlay_start_0:
0x88: {  	s2 =	sld [smem:$0x3FD9]  }
0x89: {  	s3 =	sld [smem:$0x3FFE];
	_ =	sdelay $0x1  }
0x8a: {  	s1 =	srdreg.scid  }
0x8b: {  	s0 =	sand.u32 $0x1, s1  }
0x8c: {  	s14 =	sshll.u32 s0, $0xA;
	s2 =	sadd.s32 s3, s2  }
0x8d: {  	s2 =	sadd.s32 s2, s14  }
0x8e: {  	[smem:$0x3FBA] =	sst s2  }
0x8f: {  	_ = 	snop  }
0x90: {  	s2 =	sld [smem:$0x3FD0];
	_ =	sdelay $0x2  }
0x91: {  	s15 =	simm.s32 $0xB;
	s4 =	simm.s32 $0x10  }
0x92: {  	[smem:s4], [sflag:s15] =	dma.local [hbm:s2], $0x1  }
0x93: {  	_ =	swait.eq [sflag:s15], $0x1  }
0x94: {  	[sflag:s15] =	ssyncset.done $0x0  }
0x95: {  	[sflag:s15] =	ssyncadd.s32 $0xFFFFFFFF  }
0x96: {  	s16 =	sld [smem:$0x11];
	(tm) =	ssettm $0x1  }
0x97: {  	s17 =	sld [smem:$0x3FFB];
	_ =	sdelay $0x3  }
0x98: {  	_ =	strace s17  }
0x99: {  	s3 =	sld [smem:$0x3FFC];
	_ =	sdelay $0x3  }
0x9a: {  	_ =	strace s3  }
0x9b: {  	s3 =	sld [smem:$0x3FFD];
	_ =	sdelay $0x3  }
0x9c: {  	_ =	strace s3  }
0x9d: {  	_ =	strace $0x8FFFFFFF  }
0x9e: {  	s18 =	sld [smem:$0x3FDB];
	_ =	sdelay $0x1  }
0x9f: {  	s19 =	simm.s32 $_scs_section_size  }
0xa0: {  	s5 =	simm.s32 $_size__tile_overlayer_lowered;
	s6 =	simm.s32 $_tile_overlayer_lowered  }
0xa1: {  	s22 =	simm.s32 $0x1BFF;
	s21 =	sshll.u32 s6, $0x1;
	s3 =	sadd.s32 s19, s18  }
0xa2: {  	s7 =	simm.s32 $0x0;
	s20 =	sshll.u32 s5, $0x1;
	s5 =	sadd.s32 s21, s3  }
0xa3: {  	[timem:s7], [sflag:s22] =	dma.local [hbm:s5], s20  }
0xa4: {  	_ =	swait.ge [sflag:s22], s20  }
0xa5: {  	s4 =	ssub.s32 $0x0, s20;
	[sflag:s22] =	ssyncset.done $0x0  }
0xa6: {  	[sflag:s22] =	ssyncadd.s32 s4;
	_ =	sdelay $0x1  }
0xa7: {  	s23 =	simm.s32 $0x1B8B  }
0xa8: {  	_ =	swait.ge [sflag:s23], $0x1  }
0xa9: {  	[sflag:s23] =	ssyncset.done $0x0  }
0xaa: {  	s25 =	simm.s32 $0x1B8E;
	s24 =	sld [smem:$0x3FFE];
	[sflag:s23] =	ssyncadd.s32 $0xFFFFFFFF  }
0xab: {  	s26 =	simm.s32 $execute0_lowered;
	[smem:$0x3FD2] =	sst s25  }
0xac: {  	s5 =	sshll.u32 s26, $0x1;
	_ =	strace $0x80000046;
	[dreg:$0x1] =	wrdreg $0xFFFFFFFF  }
0xad: {  	s28 =	simm.s32 $_size_execute0_lowered;
	s3 =	sadd.s32 s3, s5;
	[dreg:$0x0] =	wrdreg $0x0  }
0xae: {  	s5 =	sshll.u32 s28, $0x1;
	[dreg:$0x2] =	wrdreg s3  }
0xaf: {  	[dreg:$0x3] =	wrdreg s5  }
0xb0: {  	[dreg:$0x4] =	wrdreg $0xC0  }
0xb1: {  	_ =	task [dreg:s7], $0x5FFFF  }
0xb2: {  	[dreg:$0x1] =	wrdreg $0xFFFFFFFF  }
0xb3: {  	[dreg:$0x0] =	wrdreg $0x60  }
0xb4: {  	[dreg:$0x2] =	wrdreg s24  }
0xb5: {  	[dreg:$0x3] =	wrdreg s16  }
0xb6: {  	[dreg:$0x4] =	wrdreg $0x9  }
0xb7: {  	_ =	task.clear_ibuf [dreg:s7], $0x5FFFF;
	_ =	strace $0x90000046  }
0xb8: {  	s29 =	simm.s32 $0x9;
	_ =	strace $0x80000048  }
0xb9: {  	_ =	swait.ge [sflag:s29], $0x1  }
0xba: {  	[sflag:s29] =	ssyncadd.s32 $0xFFFFFFFF  }
0xbb: {  	_ =	strace $0x90000048  }
0xbc: {  	_ =	sfence  }
0xbd: {  	s30 =	sld [smem:$0x0];
	_ =	sdelay $0x2  }
0xbe: {  	s31 =	sshll.u32 s1, $0xD;
	s1 =	sshrl.u32 s1, $0x2  }
0xbf: {  	s3 =	sand.u32 $0x4000, s31;
	s1 =	sadd.s32 s1, s30  }
0xc0: {  	s0 =	sor.u32 s3, s0;
	s1 =	sshll.u32 s1, $0x11  }
0xc1: {  	s0 =	sor.u32 s1, s0  }
0xc2: {  	s0 =	sadd.s32 $0x8F2B, s0  }
0xc3: {  	[sflag:s0] =	ssyncadd.remote.s32 $0x1  }
0xc4: {  	_ =	sfence.sel $0xFFFF  }
0xc5: {  	[dreg:$0x0] =	wrdreg $0xFFFFFFFF;
	(pc) =	sbr.abs _section_cstart, $3  }
0xc6: {  	[dreg:$0x1] =	wrdreg $0xFFFFFFFF  }
0xc7: {  	_ =	task.clear_ibuf [dreg:s7], $0x2FFFF;
	_ =	strace $0x9FFFFFFF  }
0xc8: {  	(tm) =	ssettm $0x7FFFFFFF  }
0xc9: {  	_ =	shalt  }
tec
execute0_lowered:
.L_overlay_start_1:
0x0: {  	(tag) =	ssettag $0x1  }
0x1: {  	s1 =	srdreg.scid  }
0x2: {  	s8 =	rddreg [dreg:$0x0];
	s0 =	stileid.u32;
	s10 =	sand.u32 $0x1, s1  }
0x3: {  	s9 =	rddreg [dreg:$0x1];
	s3 =	sshll.u32 s0, $0xC;
	s4 =	sshll.u32 s10, $0xB  }
0x4: {  	s2 =	simm.s32 $0x0;
	s1 =	rddreg [dreg:$0x2];
	s11 =	sor.u32 s4, s3  }
0x5: {  	[smem:$0x7FF] =	sst s2;
	s3 =	sshrl.u32 s11, $0x3  }
0x6: {  	_ =	strace $0x80000047;
	s4 =	sadd.s32 s9, s3;
	s3 =	simm.s32 $0x2  }
0x7: {  	[tilespmem:s2], [sflag:$0x2] =	stream.linear.gather [hbm4b:s4+s2], $0x400, $0x38;
	[tilespmem:$0x10400] =	vst v63  }
0x8: {  	_ =	swait.ge [sflag:s3], $0x400  }
0x9: {  	s6 =	simm.s32 $0x400;
	[sflag:s3] =	ssyncset.done $0x0  }
0xa: {  	s7 =	simm.s32 $0x1;
	s5 =	sadd.s32 $0x2800, s8;
	[sflag:s3] =	ssyncadd.s32 $0xFFFFFC00  }
0xb: {  	[tilespmem:s6], [sflag:$0x1] =	stream.indirect.gather [hbm4b:s5+s6], $0x40, s2, s6, $0xb8;
	[tilespmem:$0x10400] =	vst v63  }
0xc: {  	_ =	swait.ge [sflag:s7], $0x10000  }
0xd: {  	s12 =	sadd.s32 $0x42800, s8;
	s28 =	sshll.u32 s11, $0x3;
	[sflag:s7] =	ssyncset.done $0x0  }
0xe: {  	s8 =	sadd.s32 s12, s28;
	[sflag:s7] =	ssyncadd.s32 $0xFFFF0000  }
0xf: {  	[hbm4b:s8+s2] =	stream.linear.scatter [tilespmem:s6], [sflag:$0x2], $0x10000, $0x38;
	[tilespmem:$0x10400] =	vst v63  }
0x10: {  	s11 =	sor.u32 $0x400, s11;
	_ =	swait.ge [sflag:s3], $0x10000  }
0x11: {  	s13 =	sshrl.u32 s11, $0x3;
	[sflag:s3] =	ssyncset.done $0x0  }
0x12: {  	s10 =	ssub.s32 $0x2, s10;
	s9 =	sadd.s32 s9, s13;
	[sflag:s3] =	ssyncadd.s32 $0xFFFF0000  }
0x13: {  	[tilespmem:s2], [sflag:$0x2] =	stream.linear.gather [hbm4b:s9+s2], $0x400, $0x38;
	[tilespmem:$0x10400] =	vst v63  }
0x14: {  	s29 =	sshrl.u32 s10, $0x1;
	_ =	swait.ge [sflag:s3], $0x400  }
0x15: {  	s13 =	ssub.s32 s10, s29;
	[sflag:s3] =	ssyncset.done $0x0  }
0x16: {  	s31 =	smax.u32 s13, $0x1;
	[sflag:s3] =	ssyncadd.s32 $0xFFFFFC00  }
0x17: {  	[tilespmem:s6], [sflag:$0x1] =	stream.indirect.gather [hbm4b:s5+s6], $0x40, s2, s6, $0xb8;
	[tilespmem:$0x10400] =	vst v63  }
0x18: {  	p0 =	sne.s32 s31, $0x1;
	_ =	swait.ge [sflag:s7], $0x10000  }
.Ltmp0:
0x19: {  	s30 =	sshll.u32 s11, $0x3;
	[sflag:s7] =	ssyncset.done $0x0;
	(pc) =	sbr.rel @!p0 .LBB2_2-.Ltmp0, $4  }
0x1a: {  	s10 =	sadd.s32 s12, s30;
	[sflag:s7] =	ssyncadd.s32 $0xFFFF0000  }
0x1b: {  	[hbm4b:s10+s2] =	stream.linear.scatter [tilespmem:s6], [sflag:$0x2], $0x10000, $0x38;
	[tilespmem:$0x10400] =	vst v63  }
0x1c: {  	_ =	swait.ge [sflag:s3], $0x10000  }
0x1d: {  	s11 =	sadd.s32 $0xFFFFFFFF, s31;
	[sflag:s3] =	ssyncset.done $0x0  }
.LBB2_1:
0x1e: {  	p0 =	sne.s32 s11, $0x1;
	s11 =	sadd.s32 $0xFFFFFFFF, s11;
	[sflag:s3] =	ssyncadd.s32 $0xFFFF0000  }
0x1f: {  	[tilespmem:s2], [sflag:$0x2] =	stream.linear.gather [hbm4b:s4+s2], $0x400, $0x38;
	[tilespmem:$0x10400] =	vst v63  }
0x20: {  	_ =	swait.ge [sflag:s3], $0x400  }
0x21: {  	[sflag:s3] =	ssyncset.done $0x0  }
0x22: {  	[sflag:s3] =	ssyncadd.s32 $0xFFFFFC00  }
0x23: {  	[tilespmem:s6], [sflag:$0x1] =	stream.indirect.gather [hbm4b:s5+s6], $0x40, s2, s6, $0xb8;
	[tilespmem:$0x10400] =	vst v63  }
0x24: {  	_ =	swait.ge [sflag:s7], $0x10000  }
0x25: {  	[sflag:s7] =	ssyncset.done $0x0  }
0x26: {  	[sflag:s7] =	ssyncadd.s32 $0xFFFF0000  }
0x27: {  	[hbm4b:s8+s2] =	stream.linear.scatter [tilespmem:s6], [sflag:$0x2], $0x10000, $0x38;
	[tilespmem:$0x10400] =	vst v63  }
0x28: {  	_ =	swait.ge [sflag:s3], $0x10000  }
0x29: {  	[sflag:s3] =	ssyncset.done $0x0  }
0x2a: {  	[sflag:s3] =	ssyncadd.s32 $0xFFFF0000  }
0x2b: {  	[tilespmem:s2], [sflag:$0x2] =	stream.linear.gather [hbm4b:s9+s2], $0x400, $0x38;
	[tilespmem:$0x10400] =	vst v63  }
0x2c: {  	_ =	swait.ge [sflag:s3], $0x400  }
0x2d: {  	[sflag:s3] =	ssyncset.done $0x0  }
0x2e: {  	[sflag:s3] =	ssyncadd.s32 $0xFFFFFC00  }
0x2f: {  	[tilespmem:s6], [sflag:$0x1] =	stream.indirect.gather [hbm4b:s5+s6], $0x40, s2, s6, $0xb8;
	[tilespmem:$0x10400] =	vst v63  }
0x30: {  	_ =	swait.ge [sflag:s7], $0x10000  }
.Ltmp1:
0x31: {  	[sflag:s7] =	ssyncset.done $0x0;
	(pc) =	sbr.rel @p0 .LBB2_1-.Ltmp1, $4  }
0x32: {  	[sflag:s7] =	ssyncadd.s32 $0xFFFF0000  }
0x33: {  	[hbm4b:s10+s2] =	stream.linear.scatter [tilespmem:s6], [sflag:$0x2], $0x10000, $0x38;
	[tilespmem:$0x10400] =	vst v63  }
0x34: {  	_ =	swait.ge [sflag:s3], $0x10000  }
0x35: {  	[sflag:s3] =	ssyncset.done $0x0  }
.LBB2_2:
0x36: {  	[sflag:s3] =	ssyncadd.s32 $0xFFFF0000  }
0x37: {  	_ =	sfence.sel $0x180000  }
0x38: {  	[bflag:$0x0] =	sbarrier.arrive $0xFFFF  }
0x39: {  	p0 =	sne.s32 s0, $0x0;
	_ =	strace $0x90000047  }
0x3a: {  	s0 =	sadd.s32 @!p0 $0x100000, s1;
	[bflag:$0x2] =	sbarrier.arrive $0xFFFF  }
0x3b: {  	[sflag:s0] =	ssyncadd.tile.s32 @!p0 $0x1;
	_ =	shalt  }
.Lfunc_end2:
_tile_overlayer_lowered:
.L_overlay_start_2:
0x3c: {  	(tag) =	ssettag $0x2  }
0x3d: {  	s0 =	rddreg [dreg:$0x0];
	s2 =	stileid.u32  }
0x3e: {  	s1 =	rddreg [dreg:$0x1];
	p0 =	sne.s32 s2, $0x0  }
0x3f: {  	s3 =	rddreg [dreg:$0x2];
	[bflag:$0x3] =	sbarrier.arrive $0xFFFF;
	s2 =	simm.s32 @!p0 $0x1C02  }
0x40: {  	[timem:s3], [sflag:s2] =	dma.local @!p0 [hbm:s0], s1  }
0x41: {  	s0 =	simm.s32 @!p0 $0x2  }
0x42: {  	_ =	swait.ge @!p0 [sflag:s0], s1  }
0x43: {  	s1 =	ssub.s32 @!p0 $0x0, s1;
	[sflag:s0] =	ssyncset.done @!p0 $0x0  }
0x44: {  	[sflag:s0] =	ssyncadd.s32 @!p0 s1  }
0x45: {  	[bflag:$0x3] =	sbarrier.arrive $0xFFFF  }
0x46: {  	_ =	shalt  }

// kernel: kernel.13.cloned.1.call-start
scs
__scs_entry_jumppad:
0x0: {  	(pc) =	sbr.rel $0x88, $3  }
0x1: {  	(tag) =	ssettag $0x0;
	lr =	simm.s32 $0x1  }
0x2: {  	[smem:$0x3F93] =	sst lr;
	_ =	strace $0xD0000000  }
0x3: {  	_ = 	snop  }
0x4: {  	_ = 	snop  }
0x5: {  	_ = 	snop  }
0x6: {  	_ = 	snop  }
0x7: {  	_ = 	snop  }
__scs_overlays_trampoline_lowered:
0x8: {  	[smem:$0x3FA2] =	sst s0  }
0x9: {  	[smem:$0x3FA3] =	sst s1  }
0xa: {  	[smem:$0x3FA4] =	sst s2  }
0xb: {  	[smem:$0x3FA5] =	sst s3  }
0xc: {  	[smem:$0x3FA6] =	sst s4  }
0xd: {  	[smem:$0x3FA7] =	sst s5  }
0xe: {  	[smem:$0x3FA8] =	sst s6  }
0xf: {  	[smem:$0x3FA9] =	sst s7  }
0x10: {  	[smem:$0x3FAA] =	sst s8  }
0x11: {  	[smem:$0x3FAB] =	sst s9;
	s0 =	simm.s32 @!p0 $0x0  }
0x12: {  	s1 =	sld [smem:$0x3F91];
	s0 =	simm.s32 @p0 $0x1  }
0x13: {  	[smem:$0x3FAC] =	sst s0;
	s0 =	simm.s32 @!p1 $0x0  }
0x14: {  	s2 =	sld [smem:$0x3F90];
	s0 =	simm.s32 @p1 $0x1  }
0x15: {  	[smem:$0x3FAD] =	sst s0;
	s0 =	simm.s32 @!p2 $0x0  }
0x16: {  	s3 =	sld [smem:$0x3FDB];
	s0 =	simm.s32 @p2 $0x1  }
0x17: {  	s4 =	simm.s32 $0x1BF5;
	[smem:$0x3FAF] =	sst s0  }
0x18: {  	s0 =	sld [smem:$0x3F92];
	_ =	swait.ge [sflag:s4], $0x0  }
0x19: {  	s7 =	sld [smem:$0x3F93]  }
0x1a: {  	s8 =	sadd.s32 $0xFFFFE003, lr  }
0x1b: {  	s9 =	sadd.s32 $0xFFFFFEF7, lr;
	s5 =	simm.s32 $0xFFFFFFFF;
	p2 =	slt.u32 s8, $0xFFFFF086  }
0x1c: {  	p1 =	slt.u32 s9, $0xF7A;
	s5 =	simm.s32 @!p2 $0x0  }
0x1d: {  	s5 =	simm.s32 @p1 $0x1;
	p0 =	seq.s32 s7, s2  }
0x1e: {  	s7 =	smul.u32 @!p0 $0xF7A, s2;
	p2 =	seq.s32 @!p0 s5, $0x0  }
0x1f: {  	s9 =	smul.u32 $0xF7A, s1;
	s8 =	simm.s32 @!p0 $0x1BF5;
	p2 =	por !p2, p0  }
0x20: {  	[sflag:s8] =	ssyncset.s32 @!p0 $0xFFFFF086;
	s6 =	sadd.s32 @!p0 s3, s7;
	s7 =	simm.s32 @!p0 $0x108  }
0x21: {  	s3 =	sadd.s32 s3, s9;
	s6 =	sadd.s32 @!p0 $0x88, s6;
	s7 =	simm.s32 @p2 $0x1082  }
0x22: {  	[simem:s7], [sflag:s8] =	dma.local @!p0 [hbm:s6], $0xF7A  }
0x23: {  	s9 =	sor.u32 $0xD0000000, s2;
	s6 =	simm.s32 $0x108;
	_ =	swait.ge @!p0 [sflag:s8], $0x0  }
0x24: {  	s3 =	sadd.s32 $0x88, s3;
	s6 =	simm.s32 @!p1 $0x1082;
	[sflag:s4] =	ssyncset.s32 $0xFFFFF086  }
0x25: {  	[simem:s6], [sflag:s4] =	dma.local [hbm:s3], $0xF7A  }
0x26: {  	[smem:$0x3F93] =	sst s1;
	(tag) =	ssettag s2;
	_ =	strace s9  }
0x27: {  	s1 =	sld [smem:$0x3FA3]  }
0x28: {  	s2 =	sld [smem:$0x3FA4]  }
0x29: {  	s4 =	sld [smem:$0x3FA6]  }
0x2a: {  	p0 =	seq.s32 s5, $0x0;
	s5 =	sld [smem:$0x3FA7]  }
0x2b: {  	s6 =	sld [smem:$0x3FA8]  }
0x2c: {  	s7 =	sld [smem:$0x3FA9]  }
0x2d: {  	s3 =	simm.s32 $0x108;
	s8 =	sld [smem:$0x3FAA]  }
0x2e: {  	s3 =	simm.s32 @!p0 $0x1082;
	s9 =	sld [smem:$0x3FAB]  }
0x2f: {  	lr =	sadd.s32 s0, s3;
	s0 =	sld [smem:$0x3FA2]  }
0x30: {  	s3 =	sld [smem:$0x3FA5]  }
0x31: {  	[smem:$0x3FAE] =	sst s10  }
0x32: {  	s10 =	sld [smem:$0x3FAC];
	_ =	sdelay $0x3  }
0x33: {  	p0 =	seq.s32 s10, $0x1;
	s10 =	sld [smem:$0x3FAE];
	_ =	sdelay $0x3  }
0x34: {  	[smem:$0x3FAE] =	sst s10  }
0x35: {  	s10 =	sld [smem:$0x3FAD];
	_ =	sdelay $0x3  }
0x36: {  	p1 =	seq.s32 s10, $0x1;
	s10 =	sld [smem:$0x3FAE];
	_ =	sdelay $0x3  }
0x37: {  	[smem:$0x3FAE] =	sst s10  }
0x38: {  	s10 =	sld [smem:$0x3FAF]  }
0x39: {  	_ = 	snop;
	(pc) =	sbr.ind lr, $3  }
0x3a: {  	_ = 	snop  }
0x3b: {  	_ = 	snop  }
0x3c: {  	p2 =	seq.s32 s10, $0x1;
	s10 =	sld [smem:$0x3FAE]  }
0x3d: {  	_ =	shalt  }
0x3e: {  	_ =	shalt  }
0x3f: {  	_ =	shalt  }
0x40: {  	_ =	shalt  }
0x41: {  	_ =	shalt  }
0x42: {  	_ =	shalt  }
0x43: {  	_ =	shalt  }
0x44: {  	_ =	shalt  }
0x45: {  	_ =	shalt  }
0x46: {  	_ =	shalt  }
0x47: {  	_ =	shalt  }
0x48: {  	_ =	shalt  }
0x49: {  	_ =	shalt  }
0x4a: {  	_ =	shalt  }
0x4b: {  	_ =	shalt  }
0x4c: {  	_ =	shalt  }
0x4d: {  	_ =	shalt  }
0x4e: {  	_ =	shalt  }
0x4f: {  	_ =	shalt  }
0x50: {  	_ =	shalt  }
0x51: {  	_ =	shalt  }
0x52: {  	_ =	shalt  }
0x53: {  	_ =	shalt  }
0x54: {  	_ =	shalt  }
0x55: {  	_ =	shalt  }
0x56: {  	_ =	shalt  }
0x57: {  	_ =	shalt  }
0x58: {  	_ =	shalt  }
0x59: {  	_ =	shalt  }
0x5a: {  	_ =	shalt  }
0x5b: {  	_ =	shalt  }
0x5c: {  	_ =	shalt  }
0x5d: {  	_ =	shalt  }
0x5e: {  	_ =	shalt  }
0x5f: {  	_ =	shalt  }
0x60: {  	_ =	shalt  }
0x61: {  	_ =	shalt  }
0x62: {  	_ =	shalt  }
0x63: {  	_ =	shalt  }
0x64: {  	_ =	shalt  }
0x65: {  	_ =	shalt  }
0x66: {  	_ =	shalt  }
0x67: {  	_ =	shalt  }
0x68: {  	_ =	shalt  }
0x69: {  	_ =	shalt  }
0x6a: {  	_ =	shalt  }
0x6b: {  	_ =	shalt  }
0x6c: {  	_ =	shalt  }
0x6d: {  	_ =	shalt  }
0x6e: {  	_ =	shalt  }
0x6f: {  	_ =	shalt  }
0x70: {  	_ =	shalt  }
0x71: {  	_ =	shalt  }
0x72: {  	_ =	shalt  }
0x73: {  	_ =	shalt  }
0x74: {  	_ =	shalt  }
0x75: {  	_ =	shalt  }
0x76: {  	_ =	shalt  }
0x77: {  	_ =	shalt  }
0x78: {  	_ =	shalt  }
0x79: {  	_ =	shalt  }
0x7a: {  	_ =	shalt  }
0x7b: {  	_ =	shalt  }
0x7c: {  	_ =	shalt  }
0x7d: {  	_ =	shalt  }
0x7e: {  	_ =	shalt  }
0x7f: {  	_ =	shalt  }
0x80: {  	_ =	shalt  }
0x81: {  	_ =	shalt  }
0x82: {  	_ =	shalt  }
0x83: {  	_ =	shalt  }
0x84: {  	_ =	shalt  }
0x85: {  	_ =	shalt  }
0x86: {  	_ =	shalt  }
0x87: {  	_ =	shalt  }
.Lfunc_end0:
.L_simem_size_0:
called_computation.1_lowered:
.L_overlay_start_0:
0x88: {  	s2 =	sld [smem:$0x3FD9]  }
0x89: {  	s3 =	sld [smem:$0x3FFE];
	_ =	sdelay $0x1  }
0x8a: {  	s1 =	srdreg.scid  }
0x8b: {  	s0 =	sand.u32 $0x1, s1  }
0x8c: {  	s15 =	sshll.u32 s0, $0xA;
	s2 =	sadd.s32 s3, s2  }
0x8d: {  	s2 =	sadd.s32 s2, s15  }
0x8e: {  	[smem:$0x3FBA] =	sst s2  }
0x8f: {  	_ = 	snop  }
0x90: {  	s2 =	sld [smem:$0x3FD0];
	_ =	sdelay $0x2  }
0x91: {  	s16 =	simm.s32 $0xB;
	s4 =	simm.s32 $0x10  }
0x92: {  	[smem:s4], [sflag:s16] =	dma.local [hbm:s2], $0x1  }
0x93: {  	_ =	swait.eq [sflag:s16], $0x1  }
0x94: {  	[sflag:s16] =	ssyncset.done $0x0  }
0x95: {  	[sflag:s16] =	ssyncadd.s32 $0xFFFFFFFF  }
0x96: {  	s17 =	sld [smem:$0x12];
	(tm) =	ssettm $0x1  }
0x97: {  	s18 =	sld [smem:$0x3FFB];
	_ =	sdelay $0x3  }
0x98: {  	_ =	strace s18  }
0x99: {  	s2 =	sld [smem:$0x3FFC];
	_ =	sdelay $0x3  }
0x9a: {  	_ =	strace s2  }
0x9b: {  	s2 =	sld [smem:$0x3FFD];
	_ =	sdelay $0x3  }
0x9c: {  	_ =	strace s2  }
0x9d: {  	_ =	strace $0x8FFFFFFF  }
0x9e: {  	s19 =	sld [smem:$0x3FDB];
	_ =	sdelay $0x1  }
0x9f: {  	s20 =	simm.s32 $_scs_section_size  }
0xa0: {  	s5 =	simm.s32 $_size__tile_overlayer_lowered;
	s6 =	simm.s32 $_tile_overlayer_lowered  }
0xa1: {  	s7 =	simm.s32 $0x1BFF;
	s21 =	sshll.u32 s6, $0x1;
	s4 =	sadd.s32 s20, s19  }
0xa2: {  	s22 =	simm.s32 $0x0;
	s5 =	sshll.u32 s5, $0x1;
	s6 =	sadd.s32 s21, s4  }
0xa3: {  	[timem:s22], [sflag:s7] =	dma.local [hbm:s6], s5  }
0xa4: {  	_ =	swait.ge [sflag:s7], s5  }
0xa5: {  	s5 =	ssub.s32 $0x0, s5;
	[sflag:s7] =	ssyncset.done $0x0  }
0xa6: {  	[sflag:s7] =	ssyncadd.s32 s5;
	_ =	sdelay $0x1  }
0xa7: {  	s23 =	simm.s32 $0x1B8B  }
0xa8: {  	_ =	swait.ge [sflag:s23], $0x1  }
0xa9: {  	[sflag:s23] =	ssyncset.done $0x0  }
0xaa: {  	[sflag:s23] =	ssyncadd.s32 $0xFFFFFFFF  }
0xab: {  	s5 =	sld [smem:$0x0]  }
0xac: {  	s6 =	sand.u32 $0xFFFFFFFE, s1  }
0xad: {  	p0 =	sne.s32 s1, s6  }
0xae: {  	s6 =	sshll.u32 @p0 s6, $0xE  }
0xaf: {  	s6 =	sadd.s32 @p0 $0x11B8D, s6;
	s7 =	sshll.u32 @p0 s5, $0x11  }
0xb0: {  	s6 =	sor.u32 @p0 s7, s6  }
0xb1: {  	[sflag:s6] =	ssyncadd.remote.s32 @p0 $0x1;
	_ =	sdelay $0x1  }
0xb2: {  	s6 =	simm.s32 @p0 $0x1B8D  }
0xb3: {  	_ =	swait.eq @p0 [sflag:s6], $0x1  }
0xb4: {  	[sflag:s6] =	ssyncadd.s32 @p0 $0xFFFFFFFF  }
0xb5: {  	s7 =	sshll.u32 @!p0 s1, $0xE  }
0xb6: {  	s7 =	sor.u32 @!p0 $0x4000, s7;
	s6 =	simm.s32 @!p0 $0x1B8D  }
0xb7: {  	s5 =	sshll.u32 @!p0 s5, $0x11;
	s7 =	sadd.s32 @!p0 $0x11B8D, s7;
	_ =	swait.eq @!p0 [sflag:s6], $0x1  }
0xb8: {  	s5 =	sor.u32 @!p0 s5, s7;
	[sflag:s6] =	ssyncadd.s32 @!p0 $0xFFFFFFFF  }
0xb9: {  	s25 =	simm.s32 $0x1B8E;
	s24 =	sld [smem:$0x3FFE];
	[sflag:s5] =	ssyncadd.remote.s32 @!p0 $0x1  }
0xba: {  	s26 =	simm.s32 $execute0_lowered;
	[smem:$0x3FD2] =	sst s25  }
0xbb: {  	s6 =	sshll.u32 s26, $0x1;
	_ =	strace $0x80000049;
	[dreg:$0x1] =	wrdreg $0xFFFFFFFF  }
0xbc: {  	s28 =	simm.s32 $_size_execute0_lowered;
	s4 =	sadd.s32 s4, s6;
	[dreg:$0x0] =	wrdreg $0x0  }
0xbd: {  	s6 =	sshll.u32 s28, $0x1;
	[dreg:$0x2] =	wrdreg s4  }
0xbe: {  	[dreg:$0x3] =	wrdreg s6  }
0xbf: {  	[dreg:$0x4] =	wrdreg $0xC0  }
0xc0: {  	_ =	task [dreg:s22], $0x5FFFF  }
0xc1: {  	[dreg:$0x1] =	wrdreg $0xFFFFFFFF  }
0xc2: {  	[dreg:$0x0] =	wrdreg $0x60  }
0xc3: {  	[dreg:$0x2] =	wrdreg s24  }
0xc4: {  	[dreg:$0x3] =	wrdreg s17  }
0xc5: {  	[dreg:$0x4] =	wrdreg $0xA  }
0xc6: {  	_ =	task.clear_ibuf [dreg:s22], $0x5FFFF;
	_ =	strace $0x90000049  }
0xc7: {  	s29 =	simm.s32 $0xA;
	_ =	strace $0x8000004B  }
0xc8: {  	_ =	swait.ge [sflag:s29], $0x1  }
0xc9: {  	[sflag:s29] =	ssyncadd.s32 $0xFFFFFFFF  }
0xca: {  	_ =	strace $0x9000004B  }
0xcb: {  	_ =	sfence  }
0xcc: {  	s30 =	sld [smem:$0x0];
	_ =	sdelay $0x2  }
0xcd: {  	s31 =	sshll.u32 s1, $0xD;
	s1 =	sshrl.u32 s1, $0x2  }
0xce: {  	s4 =	sand.u32 $0x4000, s31;
	s1 =	sadd.s32 s1, s30  }
0xcf: {  	s0 =	sor.u32 s4, s0;
	s1 =	sshll.u32 s1, $0x11  }
0xd0: {  	s0 =	sor.u32 s1, s0  }
0xd1: {  	s0 =	sadd.s32 $0x8F2B, s0  }
0xd2: {  	[sflag:s0] =	ssyncadd.remote.s32 $0x1  }
0xd3: {  	_ =	sfence.sel $0xFFFF  }
0xd4: {  	[dreg:$0x0] =	wrdreg $0xFFFFFFFF;
	(pc) =	sbr.abs _section_cstart, $3  }
0xd5: {  	[dreg:$0x1] =	wrdreg $0xFFFFFFFF  }
0xd6: {  	_ =	task.clear_ibuf [dreg:s22], $0x2FFFF;
	_ =	strace $0x9FFFFFFF  }
0xd7: {  	(tm) =	ssettm $0x7FFFFFFF  }
tec
execute0_lowered:
.L_overlay_start_1:
0x0: {  	(tag) =	ssettag $0x1  }
0x1: {  	s1 =	srdreg.scid  }
0x2: {  	s0 =	stileid.u32;
	s6 =	sand.u32 $0x1, s1  }
0x3: {  	s5 =	rddreg [dreg:$0x0];
	s30 =	sshll.u32 s0, $0x7;
	s2 =	sshll.u32 s6, $0x6  }
0x4: {  	s8 =	rddreg [dreg:$0x1];
	s9 =	sor.u32 s2, s30  }
0x5: {  	s1 =	rddreg [dreg:$0x2];
	s2 =	simm.s32 $0x0;
	s3 =	sshrl.u32 s9, $0x3  }
0x6: {  	s10 =	ssub.s32 $0x2, s6;
	[smem:$0x7FF] =	sst s2;
	s3 =	sadd.s32 s3, s5  }
0x7: {  	_ =	strace $0x8000004A;
	s4 =	sadd.s32 $0xC2800, s3;
	s3 =	simm.s32 $0x2  }
0x8: {  	[tilespmem:s2], [sflag:$0x2] =	stream.linear.gather [hbm4b:s4+s2], $0x40, $0x38;
	[tilespmem:$0x1040] =	vst v63  }
0x9: {  	s7 =	simm.s32 $0x1;
	s11 =	sshrl.u32 s10, $0x1;
	_ =	swait.ge [sflag:s3], $0x40  }
0xa: {  	s6 =	simm.s32 $0x40;
	s10 =	ssub.s32 s10, s11;
	[sflag:s3] =	ssyncset.done $0x0  }
0xb: {  	s5 =	sadd.s32 $0x2800, s5;
	s31 =	smax.u32 s10, $0x1;
	[sflag:s3] =	ssyncadd.s32 $0xFFFFFFC0  }
0xc: {  	[tilespmem:s6], [sflag:$0x1] =	stream.indirect.gather [hbm4b:s5+s6], $0x40, s2, s6, $0xb8;
	[tilespmem:$0x1040] =	vst v63  }
0xd: {  	p0 =	sne.s32 s31, $0x1;
	_ =	swait.ge [sflag:s7], $0x1000  }
.Ltmp0:
0xe: {  	s9 =	sshll.u32 s9, $0x3;
	[sflag:s7] =	ssyncset.done $0x0;
	(pc) =	sbr.rel @!p0 .LBB2_2-.Ltmp0, $4  }
0xf: {  	s8 =	sadd.s32 s8, s9;
	[sflag:s7] =	ssyncadd.s32 $0xFFFFF000  }
0x10: {  	[hbm4b:s8+s2] =	stream.linear.scatter [tilespmem:s6], [sflag:$0x2], $0x1000, $0x38;
	[tilespmem:$0x1040] =	vst v63  }
0x11: {  	_ =	swait.ge [sflag:s3], $0x1000  }
0x12: {  	s9 =	sadd.s32 $0xFFFFFFFF, s31;
	[sflag:s3] =	ssyncset.done $0x0  }
.LBB2_1:
0x13: {  	p0 =	sne.s32 s9, $0x1;
	s9 =	sadd.s32 $0xFFFFFFFF, s9;
	[sflag:s3] =	ssyncadd.s32 $0xFFFFF000  }
0x14: {  	[tilespmem:s2], [sflag:$0x2] =	stream.linear.gather [hbm4b:s4+s2], $0x40, $0x38;
	[tilespmem:$0x1040] =	vst v63  }
0x15: {  	_ =	swait.ge [sflag:s3], $0x40  }
0x16: {  	[sflag:s3] =	ssyncset.done $0x0  }
0x17: {  	[sflag:s3] =	ssyncadd.s32 $0xFFFFFFC0  }
0x18: {  	[tilespmem:s6], [sflag:$0x1] =	stream.indirect.gather [hbm4b:s5+s6], $0x40, s2, s6, $0xb8;
	[tilespmem:$0x1040] =	vst v63  }
0x19: {  	_ =	swait.ge [sflag:s7], $0x1000  }
.Ltmp1:
0x1a: {  	[sflag:s7] =	ssyncset.done $0x0;
	(pc) =	sbr.rel @p0 .LBB2_1-.Ltmp1, $4  }
0x1b: {  	[sflag:s7] =	ssyncadd.s32 $0xFFFFF000  }
0x1c: {  	[hbm4b:s8+s2] =	stream.linear.scatter [tilespmem:s6], [sflag:$0x2], $0x1000, $0x38;
	[tilespmem:$0x1040] =	vst v63  }
0x1d: {  	_ =	swait.ge [sflag:s3], $0x1000  }
0x1e: {  	[sflag:s3] =	ssyncset.done $0x0  }
.LBB2_2:
0x1f: {  	[sflag:s3] =	ssyncadd.s32 $0xFFFFF000  }
0x20: {  	_ =	sfence.sel $0x180000  }
0x21: {  	[bflag:$0x0] =	sbarrier.arrive $0xFFFF  }
0x22: {  	p0 =	sne.s32 s0, $0x0;
	_ =	strace $0x9000004A  }
0x23: {  	s0 =	sadd.s32 @!p0 $0x100000, s1;
	[bflag:$0x2] =	sbarrier.arrive $0xFFFF  }
0x24: {  	[sflag:s0] =	ssyncadd.tile.s32 @!p0 $0x1;
	_ =	shalt  }
.Lfunc_end2:
_tile_overlayer_lowered:
.L_overlay_start_2:
0x25: {  	(tag) =	ssettag $0x2  }
0x26: {  	s0 =	rddreg [dreg:$0x0];
	s2 =	stileid.u32  }
0x27: {  	s1 =	rddreg [dreg:$0x1];
	p0 =	sne.s32 s2, $0x0  }
0x28: {  	s3 =	rddreg [dreg:$0x2];
	[bflag:$0x3] =	sbarrier.arrive $0xFFFF;
	s2 =	simm.s32 @!p0 $0x1C02  }
0x29: {  	[timem:s3], [sflag:s2] =	dma.local @!p0 [hbm:s0], s1  }
0x2a: {  	s0 =	simm.s32 @!p0 $0x2  }
0x2b: {  	_ =	swait.ge @!p0 [sflag:s0], s1  }
0x2c: {  	s1 =	ssub.s32 @!p0 $0x0, s1;
	[sflag:s0] =	ssyncset.done @!p0 $0x0  }
0x2d: {  	[sflag:s0] =	ssyncadd.s32 @!p0 s1  }
0x2e: {  	[bflag:$0x3] =	sbarrier.arrive $0xFFFF  }
0x2f: {  	_ =	shalt  }

</sc_bundles>
